<compile_context>
chip_gen: v7x
topology: tpu7x:2x2x1
jax: 0.10.2.dev20260603
libtpu: 0.0.44.dev20260713+nightly
codegen_flags: <defaults>
</compile_context>

<pallas_src>
import math

import jax
import jax.numpy as jnp
from jax import lax
from jax.experimental import pallas as pl
from jax.experimental.pallas import tpu as pltpu
from jax.experimental.pallas import tpu_sc as plsc

N_CH = 128
IN_BS = 131072
OUT_BS = math.ceil(IN_BS * 48000 / 44100)

NUM_WORKERS = 32
CW = 4480
OUT_PAD = NUM_WORKERS * CW
CW_MAIN_LAST = OUT_BS // 128 * 128 - (NUM_WORKERS - 1) * CW
TAIL0 = OUT_BS // 128 * 128
WBT = 4352
NG = N_CH // 8
NBUF = 2


def _resample_kernel(x_hbm, fr_hbm, fl_hbm, out_hbm, tail_hbm,
                     fl_v, fr_v, *rest):
    win = rest[:NBUF]
    ob = rest[NBUF]
    sem_in = rest[NBUF + 1:NBUF + 3]
    sem_out = rest[NBUF + 3]
    wid = lax.axis_index("s") * 2 + lax.axis_index("c")
    c0 = pl.multiple_of(wid * CW, 128)
    is_last = wid == NUM_WORKERS - 1

    pltpu.sync_copy(fl_hbm.at[pl.ds(c0, CW)], fl_v)
    pltpu.sync_copy(fr_hbm.at[pl.ds(c0, CW)], fr_v)

    floor0 = fl_v[pl.ds(0, 16)][0]
    col0 = pl.multiple_of(
        jnp.minimum(jnp.bitwise_and(floor0, -128), IN_BS - WBT), 128)

    @plsc.parallel_loop(0, CW, step=16, unroll=4)
    def _(j):
        fl_v[pl.ds(j, 16)] = fl_v[pl.ds(j, 16)] - col0

    def fire_in(g, b):
        pltpu.async_copy(
            x_hbm.at[pl.ds(pl.multiple_of(g * 8, 8), 8), pl.ds(col0, WBT)],
            win[b], sem_in[b])

    def wait_in(b):
        pltpu.make_async_copy(
            x_hbm.at[pl.ds(0, 8), pl.ds(0, WBT)], win[b], sem_in[b]).wait()

    def fire_out(g):
        g8 = pl.multiple_of(g * 8, 8)

        @pl.when(jnp.logical_not(is_last))
        def _():
            pltpu.async_copy(
                ob, out_hbm.at[pl.ds(g8, 8), pl.ds(c0, CW)], sem_out)

        @pl.when(is_last)
        def _():
            pltpu.async_copy(
                ob.at[:, pl.ds(0, CW_MAIN_LAST)],
                out_hbm.at[pl.ds(g8, 8), pl.ds(c0, CW_MAIN_LAST)], sem_out)
            pltpu.async_copy(
                ob.at[:, pl.ds(CW_MAIN_LAST, 128)],
                tail_hbm.at[pl.ds(g8, 8), pl.ds(0, 128)], sem_out)

    def wait_out():
        @pl.when(jnp.logical_not(is_last))
        def _():
            pltpu.make_async_copy(
                ob, out_hbm.at[pl.ds(0, 8), pl.ds(0, CW)], sem_out).wait()

        @pl.when(is_last)
        def _():
            pltpu.make_async_copy(
                ob.at[:, pl.ds(0, CW_MAIN_LAST)],
                out_hbm.at[pl.ds(0, 8), pl.ds(0, CW_MAIN_LAST)],
                sem_out).wait()
            pltpu.make_async_copy(
                ob.at[:, pl.ds(CW_MAIN_LAST, 128)],
                tail_hbm.at[pl.ds(0, 8), pl.ds(0, 128)], sem_out).wait()

    def compute(b):
        @plsc.parallel_loop(0, CW, step=16, unroll=2)
        def _(j):
            sl = pl.ds(j, 16)
            lv = fl_v[sl]
            l2 = jnp.minimum(lv + 1, WBT - 1)
            f = fr_v[sl]
            for r in range(8):
                rv = jnp.full((16,), r, jnp.int32)
                a = plsc.load_gather(win[b], [rv, lv])
                bb = plsc.load_gather(win[b], [rv, l2])
                ob[r, sl] = a + (bb - a) * f

    fire_in(0, 0)

    @pl.loop(0, NG, step=NBUF)
    def _(g):
        for b in range(NBUF):
            gg = g + b

            @pl.when(gg + 1 < NG)
            def _():
                fire_in(gg + 1, (b + 1) % NBUF)

            wait_in(b)

            @pl.when(gg >= 1)
            def _():
                wait_out()

            compute(b)
            fire_out(gg)

    wait_out()


def kernel(x, interp_in, floor_in, ceil_in):
    pad = OUT_PAD - OUT_BS
    fr = jnp.pad(interp_in, (0, pad))
    fl = jnp.pad(floor_in.astype(jnp.int32), (0, pad), constant_values=IN_BS - 1)

    cp = pltpu.CompilerParams(
        needs_layout_passes=False, use_tc_tiling_on_sc=True)
    mesh = plsc.VectorSubcoreMesh(core_axis_name="c", subcore_axis_name="s")
    run = pl.kernel(
        _resample_kernel,
        out_type=(jax.ShapeDtypeStruct((N_CH, OUT_BS), jnp.float32),
                  jax.ShapeDtypeStruct((N_CH, 128), jnp.float32)),
        mesh=mesh,
        compiler_params=cp,
        scratch_types=[
            pltpu.VMEM((CW,), jnp.int32),
            pltpu.VMEM((CW,), jnp.float32),
            *[pltpu.VMEM((8, WBT), jnp.float32) for _ in range(NBUF)],
            pltpu.VMEM((8, CW), jnp.float32),
            *[pltpu.SemaphoreType.DMA for _ in range(3)],
        ],
    )
    out, tail = run(x, fr, fl)
    tail = lax.slice(tail, (0, 0), (N_CH, OUT_BS - TAIL0))
    return lax.dynamic_update_slice(out, tail, (0, TAIL0))

# --- scband reference (transcript-rebuilt; emitter-appended) ---
"""Pipeline reference for scband-inplace-interpolation-resampler-3006477107675 (READ-ONLY COPY).

The authoritative reference and input builder live on the scoring server;
editing this copy changes nothing except your own understanding.
"""

import math
import jax, jax.numpy as jnp
import numpy as np

IN_N_CH = 128
IN_SR = 44100
OUT_SR = 48000
IN_BS = 131072
OUT_BS = math.ceil(IN_BS * OUT_SR / IN_SR)


def _make_coeffs():
    # Mirrors InplaceInterpolationResampler.set_sample_rates for the 'in' direction
    scaling_factor_in = (IN_BS - 1) / (OUT_BS - 1)
    interp_in = np.arange(OUT_BS, dtype=np.float32) * np.float32(scaling_factor_in)
    floor_in = np.floor(interp_in).astype(np.int64)
    floor_in = np.clip(floor_in, 0, IN_BS - 1)
    ceil_in = np.ceil(interp_in).astype(np.int64)
    ceil_in = np.clip(ceil_in, 0, IN_BS - 1)
    frac_in = np.clip(interp_in - floor_in.astype(np.float32), 0.0, 1.0).astype(np.float32)
    return frac_in, floor_in, ceil_in


def setup_inputs(seed: int = 0) -> dict:
    key = jax.random.key(seed)
    x = jax.random.normal(key, (IN_N_CH, IN_BS), dtype=jnp.float32)
    frac_in, floor_in, ceil_in = _make_coeffs()
    return {
        "x": x,
        "interp_in": jnp.asarray(frac_in),
        "floor_in": jnp.asarray(floor_in),
        "ceil_in": jnp.asarray(ceil_in),
    }


def reference(x, interp_in, floor_in, ceil_in):
    # process_in: linear interpolation resampling via gathers
    # a = x[:, floor]; b = x[:, ceil]; out = a + (b - a) * frac
    a = jnp.take(x, floor_in, axis=1)
    b = jnp.take(x, ceil_in, axis=1)
    out = a + (b - a) * interp_in
    return out

if __name__ == "__main__":
    import jax
    _d = setup_inputs()
    print(jax.jit(kernel)(*tuple(_d.values())))

</pallas_src>

<mosaic_0001>
#map = affine_map<(d0, d1) -> (0, 0)>
#map1 = affine_map<(d0, d1) -> (0)>
module attributes {stable_mosaic.version = 14 : i64} {
  func.func @_resample_kernel(%arg0: i32, %arg1: i32, %arg2: memref<128x131072xf32, #tpu.memory_space<hbm>>, %arg3: memref<143360xf32, #tpu.memory_space<hbm>>, %arg4: memref<143360xi32, #tpu.memory_space<hbm>>, %arg5: memref<128x142664xf32, #tpu.memory_space<hbm>>, %arg6: memref<128x128xf32, #tpu.memory_space<hbm>>, %arg7: memref<4480xi32, #tpu.memory_space<vmem>>, %arg8: memref<4480xf32, #tpu.memory_space<vmem>>, %arg9: memref<8x4352xf32, #tpu.memory_space<vmem>>, %arg10: memref<8x4352xf32, #tpu.memory_space<vmem>>, %arg11: memref<8x4480xf32, #tpu.memory_space<vmem>>, %arg12: memref<!tpu.dma_semaphore, #tpu.memory_space<semaphore_mem>>, %arg13: memref<!tpu.dma_semaphore, #tpu.memory_space<semaphore_mem>>, %arg14: memref<!tpu.dma_semaphore, #tpu.memory_space<semaphore_mem>>) attributes {dimension_semantics = [#tpu.dimension_semantics<core_parallel>, #tpu.dimension_semantics<subcore_parallel>], iteration_bounds = array<i64: 2, 16>, scalar_prefetch = 0 : i64, scratch_operands = 8 : i64, tpu.core_type = #tpu.core_type<sc_vector_subcore>, window_params = [{transform_indices = #map}, {transform_indices = #map1}, {transform_indices = #map1}, {transform_indices = #map}, {transform_indices = #map}]} {
    %mul3A = arith.constant 2 : i32
    %mul3A_0 = arith.muli %arg1, %mul3A : i32
    %add3A = arith.addi %mul3A_0, %arg0 : i32
    %mul3A_1 = arith.constant 4480 : i32
    %mul3A_2 = arith.muli %add3A, %mul3A_1 : i32
    %multiple_of3A = tpu.assume_multiple %mul3A_2, 128 : i32
    %eq3A = arith.constant 31 : i32
    %eq3A_3 = arith.cmpi eq, %add3A, %eq3A : i32
    "tpu.region"() ({
      %run_scoped3A = tpu.sem_alloc : memref<!tpu.dma_semaphore, #tpu.memory_space<semaphore_mem>>
      %dma_start3A_22 = tpu.memref_slice %arg4[%multiple_of3A] : memref<143360xi32, #tpu.memory_space<hbm>> -> memref<4480xi32, #tpu.memory_space<hbm>>
      %dma_start3A_23 = tpu.memref_slice %arg4[%multiple_of3A] : memref<143360xi32, #tpu.memory_space<hbm>> -> memref<4480xi32, #tpu.memory_space<hbm>>
      tpu.enqueue_dma source(%dma_start3A_23 : memref<4480xi32, #tpu.memory_space<hbm>>) target(%arg7 : memref<4480xi32, #tpu.memory_space<vmem>>) target_semaphore(%run_scoped3A : memref<!tpu.dma_semaphore, #tpu.memory_space<semaphore_mem>>)
      %dma_wait3A = tpu.memref_slice %arg4[%multiple_of3A] : memref<143360xi32, #tpu.memory_space<hbm>> -> memref<4480xi32, #tpu.memory_space<hbm>>
      %dma_wait3A_24 = tpu.memref_slice %arg4[%multiple_of3A] : memref<143360xi32, #tpu.memory_space<hbm>> -> memref<4480xi32, #tpu.memory_space<hbm>>
      tpu.wait_dma2 semaphore(%run_scoped3A : memref<!tpu.dma_semaphore, #tpu.memory_space<semaphore_mem>>) src(%dma_wait3A_24 : memref<4480xi32, #tpu.memory_space<hbm>>) dst(%arg7 : memref<4480xi32, #tpu.memory_space<vmem>>)
      tpu.yield
    }) : () -> ()
    "tpu.region"() ({
      %run_scoped3A = tpu.sem_alloc : memref<!tpu.dma_semaphore, #tpu.memory_space<semaphore_mem>>
      %dma_start3A_22 = tpu.memref_slice %arg3[%multiple_of3A] : memref<143360xf32, #tpu.memory_space<hbm>> -> memref<4480xf32, #tpu.memory_space<hbm>>
      %dma_start3A_23 = tpu.memref_slice %arg3[%multiple_of3A] : memref<143360xf32, #tpu.memory_space<hbm>> -> memref<4480xf32, #tpu.memory_space<hbm>>
      tpu.enqueue_dma source(%dma_start3A_23 : memref<4480xf32, #tpu.memory_space<hbm>>) target(%arg8 : memref<4480xf32, #tpu.memory_space<vmem>>) target_semaphore(%run_scoped3A : memref<!tpu.dma_semaphore, #tpu.memory_space<semaphore_mem>>)
      %dma_wait3A = tpu.memref_slice %arg3[%multiple_of3A] : memref<143360xf32, #tpu.memory_space<hbm>> -> memref<4480xf32, #tpu.memory_space<hbm>>
      %dma_wait3A_24 = tpu.memref_slice %arg3[%multiple_of3A] : memref<143360xf32, #tpu.memory_space<hbm>> -> memref<4480xf32, #tpu.memory_space<hbm>>
      tpu.wait_dma2 semaphore(%run_scoped3A : memref<!tpu.dma_semaphore, #tpu.memory_space<semaphore_mem>>) src(%dma_wait3A_24 : memref<4480xf32, #tpu.memory_space<hbm>>) dst(%arg8 : memref<4480xf32, #tpu.memory_space<vmem>>)
      tpu.yield
    }) : () -> ()
    %get3A = arith.constant 0 : index
    %get3A_4 = tpu.vector_load %arg7[%get3A] {strides = array<i32>} : memref<4480xi32, #tpu.memory_space<vmem>>, vector<16xi32>,
    %slice3A = vector.extract_strided_slice %get3A_4 {offsets = [0], sizes = [1], strides = [1]} : vector<16xi32> to vector<1xi32>
    %squeeze3A = vector.extract %slice3A[0] : i32 from vector<1xi32>
    %and3A = arith.constant -128 : i32
    %and3A_5 = arith.andi %squeeze3A, %and3A : i32
    %min3A = arith.constant 126720 : i32
    %min3A_6 = arith.minsi %and3A_5, %min3A : i32
    %multiple_of3A_7 = tpu.assume_multiple %min3A_6, 128 : i32
    %parallel_loop3A = arith.constant 0 : i32
    %parallel_loop3A_8 = arith.constant 4480 : i32
    %parallel_loop3A_9 = arith.constant 16 : i32
    scf.for %parallel_loop3A_22 = %parallel_loop3A to %parallel_loop3A_8 step %parallel_loop3A_9  : i32 {
      %parallel_loop3A_23 = arith.index_cast %parallel_loop3A_22 : i32 to index
      %parallel_loop3A_24 = tpu.vector_load %arg7[%parallel_loop3A_23] {strides = array<i32>} : memref<4480xi32, #tpu.memory_space<vmem>>, vector<16xi32>,
      %parallel_loop3A_25 = vector.broadcast %multiple_of3A_7 : i32 to vector<16xi32>
      %parallel_loop3A_26 = arith.subi %parallel_loop3A_24, %parallel_loop3A_25 : vector<16xi32>
      %parallel_loop3A_27 = arith.index_cast %parallel_loop3A_22 : i32 to index
      %parallel_loop3A_28 = tpu.vector_load %arg7[%parallel_loop3A_27] {strides = array<i32>} : memref<4480xi32, #tpu.memory_space<vmem>>, vector<16xi32>,
      tpu.vector_store %arg7[%parallel_loop3A_27], %parallel_loop3A_26 {strides = array<i32>} : memref<4480xi32, #tpu.memory_space<vmem>>, vector<16xi32>,
    } {sc.loop_unroll_factor = 4 : i64, sc.parallel_access}
    %multiple_of3A_10 = arith.constant 0 : i32
    %multiple_of3A_11 = tpu.assume_multiple %multiple_of3A_10, 8 : i32
    %dma_start3A = tpu.memref_slice %arg2[%multiple_of3A_11, %multiple_of3A_7] : memref<128x131072xf32, #tpu.memory_space<hbm>> -> memref<8x4352xf32, #tpu.memory_space<hbm>>
    %dma_start3A_12 = tpu.memref_slice %arg2[%multiple_of3A_11, %multiple_of3A_7] : memref<128x131072xf32, #tpu.memory_space<hbm>> -> memref<8x4352xf32, #tpu.memory_space<hbm>>
    tpu.enqueue_dma source(%dma_start3A_12 : memref<8x4352xf32, #tpu.memory_space<hbm>>) target(%arg9 : memref<8x4352xf32, #tpu.memory_space<vmem>>) target_semaphore(%arg12 : memref<!tpu.dma_semaphore, #tpu.memory_space<semaphore_mem>>)
    %scan3A = arith.constant 0 : i32
    %scan3A_13 = arith.constant 8 : i32
    %scan3A_14 = arith.addi %scan3A, %scan3A_13 : i32
    %scan3A_15 = arith.constant 1 : i32
    scf.for %scan3A_22 = %scan3A to %scan3A_14 step %scan3A_15  : i32 {
      %mul3A_23 = arith.constant 2 : i32
      %mul3A_24 = arith.muli %scan3A_22, %mul3A_23 : i32
      %add3A_25 = arith.constant 0 : i32
      %add3A_26 = arith.addi %add3A_25, %mul3A_24 : i32
      %add3A_27 = arith.constant 0 : i32
      %add3A_28 = arith.addi %add3A_26, %add3A_27 : i32
      %add3A_29 = arith.constant 1 : i32
      %add3A_30 = arith.addi %add3A_28, %add3A_29 : i32
      %lt3A = arith.constant 16 : i32
      %lt3A_31 = arith.cmpi slt, %add3A_30, %lt3A : i32
      %convert_element_type3A_32 = arith.extui %lt3A_31 : i1 to i32
      %cond3A_33 = arith.constant 0 : i32
      %cond3A_34 = arith.cmpi ne, %convert_element_type3A_32, %cond3A_33 : i32
      scf.if %cond3A_34 {
        %add3A_92 = arith.constant 1 : i32
        %add3A_93 = arith.addi %add3A_28, %add3A_92 : i32
        %mul3A_94 = arith.constant 8 : i32
        %mul3A_95 = arith.muli %add3A_93, %mul3A_94 : i32
        %multiple_of3A_96 = tpu.assume_multiple %mul3A_95, 8 : i32
        %dma_start3A_97 = tpu.memref_slice %arg2[%multiple_of3A_96, %multiple_of3A_7] : memref<128x131072xf32, #tpu.memory_space<hbm>> -> memref<8x4352xf32, #tpu.memory_space<hbm>>
        %dma_start3A_98 = tpu.memref_slice %arg2[%multiple_of3A_96, %multiple_of3A_7] : memref<128x131072xf32, #tpu.memory_space<hbm>> -> memref<8x4352xf32, #tpu.memory_space<hbm>>
        tpu.enqueue_dma source(%dma_start3A_98 : memref<8x4352xf32, #tpu.memory_space<hbm>>) target(%arg10 : memref<8x4352xf32, #tpu.memory_space<vmem>>) target_semaphore(%arg13 : memref<!tpu.dma_semaphore, #tpu.memory_space<semaphore_mem>>)
      } else {
      }
      %dma_wait3A = arith.constant 0 : i32
      %dma_wait3A_35 = arith.constant 0 : i32
      %dma_wait3A_36 = tpu.memref_slice %arg2[%dma_wait3A, %dma_wait3A_35] : memref<128x131072xf32, #tpu.memory_space<hbm>> -> memref<8x4352xf32, #tpu.memory_space<hbm>>
      %dma_wait3A_37 = arith.constant 0 : i32
      %dma_wait3A_38 = arith.constant 0 : i32
      %dma_wait3A_39 = tpu.memref_slice %arg2[%dma_wait3A_37, %dma_wait3A_38] : memref<128x131072xf32, #tpu.memory_space<hbm>> -> memref<8x4352xf32, #tpu.memory_space<hbm>>
      tpu.wait_dma2 semaphore(%arg12 : memref<!tpu.dma_semaphore, #tpu.memory_space<semaphore_mem>>) src(%dma_wait3A_39 : memref<8x4352xf32, #tpu.memory_space<hbm>>) dst(%arg9 : memref<8x4352xf32, #tpu.memory_space<vmem>>)
      %ge3A = arith.constant 1 : i32
      %ge3A_40 = arith.cmpi sge, %add3A_28, %ge3A : i32
      %convert_element_type3A_41 = arith.extui %ge3A_40 : i1 to i32
      %cond3A_42 = arith.constant 0 : i32
      %cond3A_43 = arith.cmpi ne, %convert_element_type3A_41, %cond3A_42 : i32
      scf.if %cond3A_43 {
        %not3A_92 = arith.constant true
        %not3A_93 = arith.xori %eq3A_3, %not3A_92 : i1
        %convert_element_type3A_94 = arith.extui %not3A_93 : i1 to i32
        %cond3A_95 = arith.constant 0 : i32
        %cond3A_96 = arith.cmpi ne, %convert_element_type3A_94, %cond3A_95 : i32
        scf.if %cond3A_96 {
          %dma_wait3A_100 = arith.constant 0 : i32
          %dma_wait3A_101 = arith.constant 0 : i32
          %dma_wait3A_102 = tpu.memref_slice %arg5[%dma_wait3A_100, %dma_wait3A_101] : memref<128x142664xf32, #tpu.memory_space<hbm>> -> memref<8x4480xf32, #tpu.memory_space<hbm>>
          %dma_wait3A_103 = arith.constant 0 : i32
          %dma_wait3A_104 = arith.constant 0 : i32
          %dma_wait3A_105 = tpu.memref_slice %arg5[%dma_wait3A_103, %dma_wait3A_104] : memref<128x142664xf32, #tpu.memory_space<hbm>> -> memref<8x4480xf32, #tpu.memory_space<hbm>>
          tpu.wait_dma2 semaphore(%arg14 : memref<!tpu.dma_semaphore, #tpu.memory_space<semaphore_mem>>) src(%arg11 : memref<8x4480xf32, #tpu.memory_space<vmem>>) dst(%dma_wait3A_105 : memref<8x4480xf32, #tpu.memory_space<hbm>>)
        } else {
        }
        %convert_element_type3A_97 = arith.extui %eq3A_3 : i1 to i32
        %cond3A_98 = arith.constant 0 : i32
        %cond3A_99 = arith.cmpi ne, %convert_element_type3A_97, %cond3A_98 : i32
        scf.if %cond3A_99 {
          %dma_wait3A_100 = arith.constant 0 : i32
          %dma_wait3A_101 = arith.constant 0 : i32
          %dma_wait3A_102 = tpu.memref_slice %arg11[%dma_wait3A_100, %dma_wait3A_101] : memref<8x4480xf32, #tpu.memory_space<vmem>> -> memref<8x3712xf32, #tpu.memory_space<vmem>>
          %dma_wait3A_103 = arith.constant 0 : i32
          %dma_wait3A_104 = arith.constant 0 : i32
          %dma_wait3A_105 = tpu.memref_slice %arg5[%dma_wait3A_103, %dma_wait3A_104] : memref<128x142664xf32, #tpu.memory_space<hbm>> -> memref<8x3712xf32, #tpu.memory_space<hbm>>
          %dma_wait3A_106 = arith.constant 0 : i32
          %dma_wait3A_107 = arith.constant 0 : i32
          %dma_wait3A_108 = tpu.memref_slice %arg5[%dma_wait3A_106, %dma_wait3A_107] : memref<128x142664xf32, #tpu.memory_space<hbm>> -> memref<8x3712xf32, #tpu.memory_space<hbm>>
          %dma_wait3A_109 = arith.constant 0 : i32
          %dma_wait3A_110 = arith.constant 0 : i32
          %dma_wait3A_111 = tpu.memref_slice %arg11[%dma_wait3A_109, %dma_wait3A_110] : memref<8x4480xf32, #tpu.memory_space<vmem>> -> memref<8x3712xf32, #tpu.memory_space<vmem>>
          tpu.wait_dma2 semaphore(%arg14 : memref<!tpu.dma_semaphore, #tpu.memory_space<semaphore_mem>>) src(%dma_wait3A_111 : memref<8x3712xf32, #tpu.memory_space<vmem>>) dst(%dma_wait3A_108 : memref<8x3712xf32, #tpu.memory_space<hbm>>)
          %dma_wait3A_112 = arith.constant 0 : i32
          %dma_wait3A_113 = arith.constant 3712 : i32
          %dma_wait3A_114 = tpu.memref_slice %arg11[%dma_wait3A_112, %dma_wait3A_113] : memref<8x4480xf32, #tpu.memory_space<vmem>> -> memref<8x128xf32, #tpu.memory_space<vmem>>
          %dma_wait3A_115 = arith.constant 0 : i32
          %dma_wait3A_116 = arith.constant 0 : i32
          %dma_wait3A_117 = tpu.memref_slice %arg6[%dma_wait3A_115, %dma_wait3A_116] : memref<128x128xf32, #tpu.memory_space<hbm>> -> memref<8x128xf32, #tpu.memory_space<hbm>>
          %dma_wait3A_118 = arith.constant 0 : i32
          %dma_wait3A_119 = arith.constant 0 : i32
          %dma_wait3A_120 = tpu.memref_slice %arg6[%dma_wait3A_118, %dma_wait3A_119] : memref<128x128xf32, #tpu.memory_space<hbm>> -> memref<8x128xf32, #tpu.memory_space<hbm>>
          %dma_wait3A_121 = arith.constant 0 : i32
          %dma_wait3A_122 = arith.constant 3712 : i32
          %dma_wait3A_123 = tpu.memref_slice %arg11[%dma_wait3A_121, %dma_wait3A_122] : memref<8x4480xf32, #tpu.memory_space<vmem>> -> memref<8x128xf32, #tpu.memory_space<vmem>>
          tpu.wait_dma2 semaphore(%arg14 : memref<!tpu.dma_semaphore, #tpu.memory_space<semaphore_mem>>) src(%dma_wait3A_123 : memref<8x128xf32, #tpu.memory_space<vmem>>) dst(%dma_wait3A_120 : memref<8x128xf32, #tpu.memory_space<hbm>>)
        } else {
        }
      } else {
      }
      %parallel_loop3A_44 = arith.constant 0 : i32
      %parallel_loop3A_45 = arith.constant 4480 : i32
      %parallel_loop3A_46 = arith.constant 16 : i32
      scf.for %parallel_loop3A_92 = %parallel_loop3A_44 to %parallel_loop3A_45 step %parallel_loop3A_46  : i32 {
        %parallel_loop3A_93 = arith.index_cast %parallel_loop3A_92 : i32 to index
        %parallel_loop3A_94 = tpu.vector_load %arg7[%parallel_loop3A_93] {strides = array<i32>} : memref<4480xi32, #tpu.memory_space<vmem>>, vector<16xi32>,
        %parallel_loop3A_95 = arith.constant 1 : i32
        %parallel_loop3A_96 = vector.broadcast %parallel_loop3A_95 : i32 to vector<16xi32>
        %parallel_loop3A_97 = arith.addi %parallel_loop3A_94, %parallel_loop3A_96 : vector<16xi32>
        %parallel_loop3A_98 = arith.constant 4351 : i32
        %parallel_loop3A_99 = vector.broadcast %parallel_loop3A_98 : i32 to vector<16xi32>
        %parallel_loop3A_100 = arith.minsi %parallel_loop3A_97, %parallel_loop3A_99 : vector<16xi32>
        %parallel_loop3A_101 = arith.index_cast %parallel_loop3A_92 : i32 to index
        %parallel_loop3A_102 = tpu.vector_load %arg8[%parallel_loop3A_101] {strides = array<i32>} : memref<4480xf32, #tpu.memory_space<vmem>>, vector<16xf32>,
        %parallel_loop3A_103 = arith.constant 0 : i32
        %parallel_loop3A_104 = vector.broadcast %parallel_loop3A_103 : i32 to vector<16xi32>
        %parallel_loop3A_105 = tpu.vector_load_idx %arg9[%parallel_loop3A_104, %parallel_loop3A_94] : memref<8x4352xf32, #tpu.memory_space<vmem>>[vector<16xi32>, vector<16xi32>], vector<16xf32>,
        %parallel_loop3A_106 = tpu.vector_load_idx %arg9[%parallel_loop3A_104, %parallel_loop3A_100] : memref<8x4352xf32, #tpu.memory_space<vmem>>[vector<16xi32>, vector<16xi32>], vector<16xf32>,
        %parallel_loop3A_107 = arith.subf %parallel_loop3A_106, %parallel_loop3A_105 : vector<16xf32>
        %parallel_loop3A_108 = arith.mulf %parallel_loop3A_107, %parallel_loop3A_102 : vector<16xf32>
        %parallel_loop3A_109 = arith.addf %parallel_loop3A_105, %parallel_loop3A_108 : vector<16xf32>
        %parallel_loop3A_110 = arith.constant 0 : i32
        %parallel_loop3A_111 = arith.index_cast %parallel_loop3A_110 : i32 to index
        %parallel_loop3A_112 = arith.index_cast %parallel_loop3A_92 : i32 to index
        %parallel_loop3A_113 = tpu.vector_load %arg11[%parallel_loop3A_111, %parallel_loop3A_112] {strides = array<i32>} : memref<8x4480xf32, #tpu.memory_space<vmem>>, vector<16xf32>,
        tpu.vector_store %arg11[%parallel_loop3A_111, %parallel_loop3A_112], %parallel_loop3A_109 {strides = array<i32>} : memref<8x4480xf32, #tpu.memory_space<vmem>>, vector<16xf32>,
        %parallel_loop3A_114 = arith.constant 1 : i32
        %parallel_loop3A_115 = vector.broadcast %parallel_loop3A_114 : i32 to vector<16xi32>
        %parallel_loop3A_116 = tpu.vector_load_idx %arg9[%parallel_loop3A_115, %parallel_loop3A_94] : memref<8x4352xf32, #tpu.memory_space<vmem>>[vector<16xi32>, vector<16xi32>], vector<16xf32>,
        %parallel_loop3A_117 = tpu.vector_load_idx %arg9[%parallel_loop3A_115, %parallel_loop3A_100] : memref<8x4352xf32, #tpu.memory_space<vmem>>[vector<16xi32>, vector<16xi32>], vector<16xf32>,
        %parallel_loop3A_118 = arith.subf %parallel_loop3A_117, %parallel_loop3A_116 : vector<16xf32>
        %parallel_loop3A_119 = arith.mulf %parallel_loop3A_118, %parallel_loop3A_102 : vector<16xf32>
        %parallel_loop3A_120 = arith.addf %parallel_loop3A_116, %parallel_loop3A_119 : vector<16xf32>
        %parallel_loop3A_121 = arith.constant 1 : i32
        %parallel_loop3A_122 = arith.index_cast %parallel_loop3A_121 : i32 to index
        %parallel_loop3A_123 = arith.index_cast %parallel_loop3A_92 : i32 to index
        %parallel_loop3A_124 = tpu.vector_load %arg11[%parallel_loop3A_122, %parallel_loop3A_123] {strides = array<i32>} : memref<8x4480xf32, #tpu.memory_space<vmem>>, vector<16xf32>,
        tpu.vector_store %arg11[%parallel_loop3A_122, %parallel_loop3A_123], %parallel_loop3A_120 {strides = array<i32>} : memref<8x4480xf32, #tpu.memory_space<vmem>>, vector<16xf32>,
        %parallel_loop3A_125 = arith.constant 2 : i32
        %parallel_loop3A_126 = vector.broadcast %parallel_loop3A_125 : i32 to vector<16xi32>
        %parallel_loop3A_127 = tpu.vector_load_idx %arg9[%parallel_loop3A_126, %parallel_loop3A_94] : memref<8x4352xf32, #tpu.memory_space<vmem>>[vector<16xi32>, vector<16xi32>], vector<16xf32>,
        %parallel_loop3A_128 = tpu.vector_load_idx %arg9[%parallel_loop3A_126, %parallel_loop3A_100] : memref<8x4352xf32, #tpu.memory_space<vmem>>[vector<16xi32>, vector<16xi32>], vector<16xf32>,
        %parallel_loop3A_129 = arith.subf %parallel_loop3A_128, %parallel_loop3A_127 : vector<16xf32>
        %parallel_loop3A_130 = arith.mulf %parallel_loop3A_129, %parallel_loop3A_102 : vector<16xf32>
        %parallel_loop3A_131 = arith.addf %parallel_loop3A_127, %parallel_loop3A_130 : vector<16xf32>
        %parallel_loop3A_132 = arith.constant 2 : i32
        %parallel_loop3A_133 = arith.index_cast %parallel_loop3A_132 : i32 to index
        %parallel_loop3A_134 = arith.index_cast %parallel_loop3A_92 : i32 to index
        %parallel_loop3A_135 = tpu.vector_load %arg11[%parallel_loop3A_133, %parallel_loop3A_134] {strides = array<i32>} : memref<8x4480xf32, #tpu.memory_space<vmem>>, vector<16xf32>,
        tpu.vector_store %arg11[%parallel_loop3A_133, %parallel_loop3A_134], %parallel_loop3A_131 {strides = array<i32>} : memref<8x4480xf32, #tpu.memory_space<vmem>>, vector<16xf32>,
        %parallel_loop3A_136 = arith.constant 3 : i32
        %parallel_loop3A_137 = vector.broadcast %parallel_loop3A_136 : i32 to vector<16xi32>
        %parallel_loop3A_138 = tpu.vector_load_idx %arg9[%parallel_loop3A_137, %parallel_loop3A_94] : memref<8x4352xf32, #tpu.memory_space<vmem>>[vector<16xi32>, vector<16xi32>], vector<16xf32>,
        %parallel_loop3A_139 = tpu.vector_load_idx %arg9[%parallel_loop3A_137, %parallel_loop3A_100] : memref<8x4352xf32, #tpu.memory_space<vmem>>[vector<16xi32>, vector<16xi32>], vector<16xf32>,
        %parallel_loop3A_140 = arith.subf %parallel_loop3A_139, %parallel_loop3A_138 : vector<16xf32>
        %parallel_loop3A_141 = arith.mulf %parallel_loop3A_140, %parallel_loop3A_102 : vector<16xf32>
        %parallel_loop3A_142 = arith.addf %parallel_loop3A_138, %parallel_loop3A_141 : vector<16xf32>
        %parallel_loop3A_143 = arith.constant 3 : i32
        %parallel_loop3A_144 = arith.index_cast %parallel_loop3A_143 : i32 to index
        %parallel_loop3A_145 = arith.index_cast %parallel_loop3A_92 : i32 to index
        %parallel_loop3A_146 = tpu.vector_load %arg11[%parallel_loop3A_144, %parallel_loop3A_145] {strides = array<i32>} : memref<8x4480xf32, #tpu.memory_space<vmem>>, vector<16xf32>,
        tpu.vector_store %arg11[%parallel_loop3A_144, %parallel_loop3A_145], %parallel_loop3A_142 {strides = array<i32>} : memref<8x4480xf32, #tpu.memory_space<vmem>>, vector<16xf32>,
        %parallel_loop3A_147 = arith.constant 4 : i32
        %parallel_loop3A_148 = vector.broadcast %parallel_loop3A_147 : i32 to vector<16xi32>
        %parallel_loop3A_149 = tpu.vector_load_idx %arg9[%parallel_loop3A_148, %parallel_loop3A_94] : memref<8x4352xf32, #tpu.memory_space<vmem>>[vector<16xi32>, vector<16xi32>], vector<16xf32>,
        %parallel_loop3A_150 = tpu.vector_load_idx %arg9[%parallel_loop3A_148, %parallel_loop3A_100] : memref<8x4352xf32, #tpu.memory_space<vmem>>[vector<16xi32>, vector<16xi32>], vector<16xf32>,
        %parallel_loop3A_151 = arith.subf %parallel_loop3A_150, %parallel_loop3A_149 : vector<16xf32>
        %parallel_loop3A_152 = arith.mulf %parallel_loop3A_151, %parallel_loop3A_102 : vector<16xf32>
        %parallel_loop3A_153 = arith.addf %parallel_loop3A_149, %parallel_loop3A_152 : vector<16xf32>
        %parallel_loop3A_154 = arith.constant 4 : i32
        %parallel_loop3A_155 = arith.index_cast %parallel_loop3A_154 : i32 to index
        %parallel_loop3A_156 = arith.index_cast %parallel_loop3A_92 : i32 to index
        %parallel_loop3A_157 = tpu.vector_load %arg11[%parallel_loop3A_155, %parallel_loop3A_156] {strides = array<i32>} : memref<8x4480xf32, #tpu.memory_space<vmem>>, vector<16xf32>,
        tpu.vector_store %arg11[%parallel_loop3A_155, %parallel_loop3A_156], %parallel_loop3A_153 {strides = array<i32>} : memref<8x4480xf32, #tpu.memory_space<vmem>>, vector<16xf32>,
        %parallel_loop3A_158 = arith.constant 5 : i32
        %parallel_loop3A_159 = vector.broadcast %parallel_loop3A_158 : i32 to vector<16xi32>
        %parallel_loop3A_160 = tpu.vector_load_idx %arg9[%parallel_loop3A_159, %parallel_loop3A_94] : memref<8x4352xf32, #tpu.memory_space<vmem>>[vector<16xi32>, vector<16xi32>], vector<16xf32>,
        %parallel_loop3A_161 = tpu.vector_load_idx %arg9[%parallel_loop3A_159, %parallel_loop3A_100] : memref<8x4352xf32, #tpu.memory_space<vmem>>[vector<16xi32>, vector<16xi32>], vector<16xf32>,
        %parallel_loop3A_162 = arith.subf %parallel_loop3A_161, %parallel_loop3A_160 : vector<16xf32>
        %parallel_loop3A_163 = arith.mulf %parallel_loop3A_162, %parallel_loop3A_102 : vector<16xf32>
        %parallel_loop3A_164 = arith.addf %parallel_loop3A_160, %parallel_loop3A_163 : vector<16xf32>
        %parallel_loop3A_165 = arith.constant 5 : i32
        %parallel_loop3A_166 = arith.index_cast %parallel_loop3A_165 : i32 to index
        %parallel_loop3A_167 = arith.index_cast %parallel_loop3A_92 : i32 to index
        %parallel_loop3A_168 = tpu.vector_load %arg11[%parallel_loop3A_166, %parallel_loop3A_167] {strides = array<i32>} : memref<8x4480xf32, #tpu.memory_space<vmem>>, vector<16xf32>,
        tpu.vector_store %arg11[%parallel_loop3A_166, %parallel_loop3A_167], %parallel_loop3A_164 {strides = array<i32>} : memref<8x4480xf32, #tpu.memory_space<vmem>>, vector<16xf32>,
        %parallel_loop3A_169 = arith.constant 6 : i32
        %parallel_loop3A_170 = vector.broadcast %parallel_loop3A_169 : i32 to vector<16xi32>
        %parallel_loop3A_171 = tpu.vector_load_idx %arg9[%parallel_loop3A_170, %parallel_loop3A_94] : memref<8x4352xf32, #tpu.memory_space<vmem>>[vector<16xi32>, vector<16xi32>], vector<16xf32>,
        %parallel_loop3A_172 = tpu.vector_load_idx %arg9[%parallel_loop3A_170, %parallel_loop3A_100] : memref<8x4352xf32, #tpu.memory_space<vmem>>[vector<16xi32>, vector<16xi32>], vector<16xf32>,
        %parallel_loop3A_173 = arith.subf %parallel_loop3A_172, %parallel_loop3A_171 : vector<16xf32>
        %parallel_loop3A_174 = arith.mulf %parallel_loop3A_173, %parallel_loop3A_102 : vector<16xf32>
        %parallel_loop3A_175 = arith.addf %parallel_loop3A_171, %parallel_loop3A_174 : vector<16xf32>
        %parallel_loop3A_176 = arith.constant 6 : i32
        %parallel_loop3A_177 = arith.index_cast %parallel_loop3A_176 : i32 to index
        %parallel_loop3A_178 = arith.index_cast %parallel_loop3A_92 : i32 to index
        %parallel_loop3A_179 = tpu.vector_load %arg11[%parallel_loop3A_177, %parallel_loop3A_178] {strides = array<i32>} : memref<8x4480xf32, #tpu.memory_space<vmem>>, vector<16xf32>,
        tpu.vector_store %arg11[%parallel_loop3A_177, %parallel_loop3A_178], %parallel_loop3A_175 {strides = array<i32>} : memref<8x4480xf32, #tpu.memory_space<vmem>>, vector<16xf32>,
        %parallel_loop3A_180 = arith.constant 7 : i32
        %parallel_loop3A_181 = vector.broadcast %parallel_loop3A_180 : i32 to vector<16xi32>
        %parallel_loop3A_182 = tpu.vector_load_idx %arg9[%parallel_loop3A_181, %parallel_loop3A_94] : memref<8x4352xf32, #tpu.memory_space<vmem>>[vector<16xi32>, vector<16xi32>], vector<16xf32>,
        %parallel_loop3A_183 = tpu.vector_load_idx %arg9[%parallel_loop3A_181, %parallel_loop3A_100] : memref<8x4352xf32, #tpu.memory_space<vmem>>[vector<16xi32>, vector<16xi32>], vector<16xf32>,
        %parallel_loop3A_184 = arith.subf %parallel_loop3A_183, %parallel_loop3A_182 : vector<16xf32>
        %parallel_loop3A_185 = arith.mulf %parallel_loop3A_184, %parallel_loop3A_102 : vector<16xf32>
        %parallel_loop3A_186 = arith.addf %parallel_loop3A_182, %parallel_loop3A_185 : vector<16xf32>
        %parallel_loop3A_187 = arith.constant 7 : i32
        %parallel_loop3A_188 = arith.index_cast %parallel_loop3A_187 : i32 to index
        %parallel_loop3A_189 = arith.index_cast %parallel_loop3A_92 : i32 to index
        %parallel_loop3A_190 = tpu.vector_load %arg11[%parallel_loop3A_188, %parallel_loop3A_189] {strides = array<i32>} : memref<8x4480xf32, #tpu.memory_space<vmem>>, vector<16xf32>,
        tpu.vector_store %arg11[%parallel_loop3A_188, %parallel_loop3A_189], %parallel_loop3A_186 {strides = array<i32>} : memref<8x4480xf32, #tpu.memory_space<vmem>>, vector<16xf32>,
      } {sc.loop_unroll_factor = 2 : i64, sc.parallel_access}
      %mul3A_47 = arith.constant 8 : i32
      %mul3A_48 = arith.muli %add3A_28, %mul3A_47 : i32
      %multiple_of3A_49 = tpu.assume_multiple %mul3A_48, 8 : i32
      %not3A_50 = arith.constant true
      %not3A_51 = arith.xori %eq3A_3, %not3A_50 : i1
      %convert_element_type3A_52 = arith.extui %not3A_51 : i1 to i32
      %cond3A_53 = arith.constant 0 : i32
      %cond3A_54 = arith.cmpi ne, %convert_element_type3A_52, %cond3A_53 : i32
      scf.if %cond3A_54 {
        %dma_start3A_92 = tpu.memref_slice %arg5[%multiple_of3A_49, %multiple_of3A] : memref<128x142664xf32, #tpu.memory_space<hbm>> -> memref<8x4480xf32, #tpu.memory_space<hbm>>
        %dma_start3A_93 = tpu.memref_slice %arg5[%multiple_of3A_49, %multiple_of3A] : memref<128x142664xf32, #tpu.memory_space<hbm>> -> memref<8x4480xf32, #tpu.memory_space<hbm>>
        tpu.enqueue_dma source(%arg11 : memref<8x4480xf32, #tpu.memory_space<vmem>>) target(%dma_start3A_93 : memref<8x4480xf32, #tpu.memory_space<hbm>>) target_semaphore(%arg14 : memref<!tpu.dma_semaphore, #tpu.memory_space<semaphore_mem>>)
      } else {
      }
      %convert_element_type3A_55 = arith.extui %eq3A_3 : i1 to i32
      %cond3A_56 = arith.constant 0 : i32
      %cond3A_57 = arith.cmpi ne, %convert_element_type3A_55, %cond3A_56 : i32
      scf.if %cond3A_57 {
        %dma_start3A_92 = arith.constant 0 : i32
        %dma_start3A_93 = arith.constant 0 : i32
        %dma_start3A_94 = tpu.memref_slice %arg11[%dma_start3A_92, %dma_start3A_93] : memref<8x4480xf32, #tpu.memory_space<vmem>> -> memref<8x3712xf32, #tpu.memory_space<vmem>>
        %dma_start3A_95 = tpu.memref_slice %arg5[%multiple_of3A_49, %multiple_of3A] : memref<128x142664xf32, #tpu.memory_space<hbm>> -> memref<8x3712xf32, #tpu.memory_space<hbm>>
        %dma_start3A_96 = tpu.memref_slice %arg5[%multiple_of3A_49, %multiple_of3A] : memref<128x142664xf32, #tpu.memory_space<hbm>> -> memref<8x3712xf32, #tpu.memory_space<hbm>>
        %dma_start3A_97 = arith.constant 0 : i32
        %dma_start3A_98 = arith.constant 0 : i32
        %dma_start3A_99 = tpu.memref_slice %arg11[%dma_start3A_97, %dma_start3A_98] : memref<8x4480xf32, #tpu.memory_space<vmem>> -> memref<8x3712xf32, #tpu.memory_space<vmem>>
        tpu.enqueue_dma source(%dma_start3A_99 : memref<8x3712xf32, #tpu.memory_space<vmem>>) target(%dma_start3A_96 : memref<8x3712xf32, #tpu.memory_space<hbm>>) target_semaphore(%arg14 : memref<!tpu.dma_semaphore, #tpu.memory_space<semaphore_mem>>)
        %dma_start3A_100 = arith.constant 0 : i32
        %dma_start3A_101 = arith.constant 3712 : i32
        %dma_start3A_102 = tpu.memref_slice %arg11[%dma_start3A_100, %dma_start3A_101] : memref<8x4480xf32, #tpu.memory_space<vmem>> -> memref<8x128xf32, #tpu.memory_space<vmem>>
        %dma_start3A_103 = arith.constant 0 : i32
        %dma_start3A_104 = tpu.memref_slice %arg6[%multiple_of3A_49, %dma_start3A_103] : memref<128x128xf32, #tpu.memory_space<hbm>> -> memref<8x128xf32, #tpu.memory_space<hbm>>
        %dma_start3A_105 = arith.constant 0 : i32
        %dma_start3A_106 = tpu.memref_slice %arg6[%multiple_of3A_49, %dma_start3A_105] : memref<128x128xf32, #tpu.memory_space<hbm>> -> memref<8x128xf32, #tpu.memory_space<hbm>>
        %dma_start3A_107 = arith.constant 0 : i32
        %dma_start3A_108 = arith.constant 3712 : i32
        %dma_start3A_109 = tpu.memref_slice %arg11[%dma_start3A_107, %dma_start3A_108] : memref<8x4480xf32, #tpu.memory_space<vmem>> -> memref<8x128xf32, #tpu.memory_space<vmem>>
        tpu.enqueue_dma source(%dma_start3A_109 : memref<8x128xf32, #tpu.memory_space<vmem>>) target(%dma_start3A_106 : memref<8x128xf32, #tpu.memory_space<hbm>>) target_semaphore(%arg14 : memref<!tpu.dma_semaphore, #tpu.memory_space<semaphore_mem>>)
      } else {
      }
      %add3A_58 = arith.constant 1 : i32
      %add3A_59 = arith.addi %add3A_26, %add3A_58 : i32
      %add3A_60 = arith.constant 1 : i32
      %add3A_61 = arith.addi %add3A_59, %add3A_60 : i32
      %lt3A_62 = arith.constant 16 : i32
      %lt3A_63 = arith.cmpi slt, %add3A_61, %lt3A_62 : i32
      %convert_element_type3A_64 = arith.extui %lt3A_63 : i1 to i32
      %cond3A_65 = arith.constant 0 : i32
      %cond3A_66 = arith.cmpi ne, %convert_element_type3A_64, %cond3A_65 : i32
      scf.if %cond3A_66 {
        %add3A_92 = arith.constant 1 : i32
        %add3A_93 = arith.addi %add3A_59, %add3A_92 : i32
        %mul3A_94 = arith.constant 8 : i32
        %mul3A_95 = arith.muli %add3A_93, %mul3A_94 : i32
        %multiple_of3A_96 = tpu.assume_multiple %mul3A_95, 8 : i32
        %dma_start3A_97 = tpu.memref_slice %arg2[%multiple_of3A_96, %multiple_of3A_7] : memref<128x131072xf32, #tpu.memory_space<hbm>> -> memref<8x4352xf32, #tpu.memory_space<hbm>>
        %dma_start3A_98 = tpu.memref_slice %arg2[%multiple_of3A_96, %multiple_of3A_7] : memref<128x131072xf32, #tpu.memory_space<hbm>> -> memref<8x4352xf32, #tpu.memory_space<hbm>>
        tpu.enqueue_dma source(%dma_start3A_98 : memref<8x4352xf32, #tpu.memory_space<hbm>>) target(%arg9 : memref<8x4352xf32, #tpu.memory_space<vmem>>) target_semaphore(%arg12 : memref<!tpu.dma_semaphore, #tpu.memory_space<semaphore_mem>>)
      } else {
      }
      %dma_wait3A_67 = arith.constant 0 : i32
      %dma_wait3A_68 = arith.constant 0 : i32
      %dma_wait3A_69 = tpu.memref_slice %arg2[%dma_wait3A_67, %dma_wait3A_68] : memref<128x131072xf32, #tpu.memory_space<hbm>> -> memref<8x4352xf32, #tpu.memory_space<hbm>>
      %dma_wait3A_70 = arith.constant 0 : i32
      %dma_wait3A_71 = arith.constant 0 : i32
      %dma_wait3A_72 = tpu.memref_slice %arg2[%dma_wait3A_70, %dma_wait3A_71] : memref<128x131072xf32, #tpu.memory_space<hbm>> -> memref<8x4352xf32, #tpu.memory_space<hbm>>
      tpu.wait_dma2 semaphore(%arg13 : memref<!tpu.dma_semaphore, #tpu.memory_space<semaphore_mem>>) src(%dma_wait3A_72 : memref<8x4352xf32, #tpu.memory_space<hbm>>) dst(%arg10 : memref<8x4352xf32, #tpu.memory_space<vmem>>)
      %ge3A_73 = arith.constant 1 : i32
      %ge3A_74 = arith.cmpi sge, %add3A_59, %ge3A_73 : i32
      %convert_element_type3A_75 = arith.extui %ge3A_74 : i1 to i32
      %cond3A_76 = arith.constant 0 : i32
      %cond3A_77 = arith.cmpi ne, %convert_element_type3A_75, %cond3A_76 : i32
      scf.if %cond3A_77 {
        %not3A_92 = arith.constant true
        %not3A_93 = arith.xori %eq3A_3, %not3A_92 : i1
        %convert_element_type3A_94 = arith.extui %not3A_93 : i1 to i32
        %cond3A_95 = arith.constant 0 : i32
        %cond3A_96 = arith.cmpi ne, %convert_element_type3A_94, %cond3A_95 : i32
        scf.if %cond3A_96 {
          %dma_wait3A_100 = arith.constant 0 : i32
          %dma_wait3A_101 = arith.constant 0 : i32
          %dma_wait3A_102 = tpu.memref_slice %arg5[%dma_wait3A_100, %dma_wait3A_101] : memref<128x142664xf32, #tpu.memory_space<hbm>> -> memref<8x4480xf32, #tpu.memory_space<hbm>>
          %dma_wait3A_103 = arith.constant 0 : i32
          %dma_wait3A_104 = arith.constant 0 : i32
          %dma_wait3A_105 = tpu.memref_slice %arg5[%dma_wait3A_103, %dma_wait3A_104] : memref<128x142664xf32, #tpu.memory_space<hbm>> -> memref<8x4480xf32, #tpu.memory_space<hbm>>
          tpu.wait_dma2 semaphore(%arg14 : memref<!tpu.dma_semaphore, #tpu.memory_space<semaphore_mem>>) src(%arg11 : memref<8x4480xf32, #tpu.memory_space<vmem>>) dst(%dma_wait3A_105 : memref<8x4480xf32, #tpu.memory_space<hbm>>)
        } else {
        }
        %convert_element_type3A_97 = arith.extui %eq3A_3 : i1 to i32
        %cond3A_98 = arith.constant 0 : i32
        %cond3A_99 = arith.cmpi ne, %convert_element_type3A_97, %cond3A_98 : i32
        scf.if %cond3A_99 {
          %dma_wait3A_100 = arith.constant 0 : i32
          %dma_wait3A_101 = arith.constant 0 : i32
          %dma_wait3A_102 = tpu.memref_slice %arg11[%dma_wait3A_100, %dma_wait3A_101] : memref<8x4480xf32, #tpu.memory_space<vmem>> -> memref<8x3712xf32, #tpu.memory_space<vmem>>
          %dma_wait3A_103 = arith.constant 0 : i32
          %dma_wait3A_104 = arith.constant 0 : i32
          %dma_wait3A_105 = tpu.memref_slice %arg5[%dma_wait3A_103, %dma_wait3A_104] : memref<128x142664xf32, #tpu.memory_space<hbm>> -> memref<8x3712xf32, #tpu.memory_space<hbm>>
          %dma_wait3A_106 = arith.constant 0 : i32
          %dma_wait3A_107 = arith.constant 0 : i32
          %dma_wait3A_108 = tpu.memref_slice %arg5[%dma_wait3A_106, %dma_wait3A_107] : memref<128x142664xf32, #tpu.memory_space<hbm>> -> memref<8x3712xf32, #tpu.memory_space<hbm>>
          %dma_wait3A_109 = arith.constant 0 : i32
          %dma_wait3A_110 = arith.constant 0 : i32
          %dma_wait3A_111 = tpu.memref_slice %arg11[%dma_wait3A_109, %dma_wait3A_110] : memref<8x4480xf32, #tpu.memory_space<vmem>> -> memref<8x3712xf32, #tpu.memory_space<vmem>>
          tpu.wait_dma2 semaphore(%arg14 : memref<!tpu.dma_semaphore, #tpu.memory_space<semaphore_mem>>) src(%dma_wait3A_111 : memref<8x3712xf32, #tpu.memory_space<vmem>>) dst(%dma_wait3A_108 : memref<8x3712xf32, #tpu.memory_space<hbm>>)
          %dma_wait3A_112 = arith.constant 0 : i32
          %dma_wait3A_113 = arith.constant 3712 : i32
          %dma_wait3A_114 = tpu.memref_slice %arg11[%dma_wait3A_112, %dma_wait3A_113] : memref<8x4480xf32, #tpu.memory_space<vmem>> -> memref<8x128xf32, #tpu.memory_space<vmem>>
          %dma_wait3A_115 = arith.constant 0 : i32
          %dma_wait3A_116 = arith.constant 0 : i32
          %dma_wait3A_117 = tpu.memref_slice %arg6[%dma_wait3A_115, %dma_wait3A_116] : memref<128x128xf32, #tpu.memory_space<hbm>> -> memref<8x128xf32, #tpu.memory_space<hbm>>
          %dma_wait3A_118 = arith.constant 0 : i32
          %dma_wait3A_119 = arith.constant 0 : i32
          %dma_wait3A_120 = tpu.memref_slice %arg6[%dma_wait3A_118, %dma_wait3A_119] : memref<128x128xf32, #tpu.memory_space<hbm>> -> memref<8x128xf32, #tpu.memory_space<hbm>>
          %dma_wait3A_121 = arith.constant 0 : i32
          %dma_wait3A_122 = arith.constant 3712 : i32
          %dma_wait3A_123 = tpu.memref_slice %arg11[%dma_wait3A_121, %dma_wait3A_122] : memref<8x4480xf32, #tpu.memory_space<vmem>> -> memref<8x128xf32, #tpu.memory_space<vmem>>
          tpu.wait_dma2 semaphore(%arg14 : memref<!tpu.dma_semaphore, #tpu.memory_space<semaphore_mem>>) src(%dma_wait3A_123 : memref<8x128xf32, #tpu.memory_space<vmem>>) dst(%dma_wait3A_120 : memref<8x128xf32, #tpu.memory_space<hbm>>)
        } else {
        }
      } else {
      }
      %parallel_loop3A_78 = arith.constant 0 : i32
      %parallel_loop3A_79 = arith.constant 4480 : i32
      %parallel_loop3A_80 = arith.constant 16 : i32
      scf.for %parallel_loop3A_92 = %parallel_loop3A_78 to %parallel_loop3A_79 step %parallel_loop3A_80  : i32 {
        %parallel_loop3A_93 = arith.index_cast %parallel_loop3A_92 : i32 to index
        %parallel_loop3A_94 = tpu.vector_load %arg7[%parallel_loop3A_93] {strides = array<i32>} : memref<4480xi32, #tpu.memory_space<vmem>>, vector<16xi32>,
        %parallel_loop3A_95 = arith.constant 1 : i32
        %parallel_loop3A_96 = vector.broadcast %parallel_loop3A_95 : i32 to vector<16xi32>
        %parallel_loop3A_97 = arith.addi %parallel_loop3A_94, %parallel_loop3A_96 : vector<16xi32>
        %parallel_loop3A_98 = arith.constant 4351 : i32
        %parallel_loop3A_99 = vector.broadcast %parallel_loop3A_98 : i32 to vector<16xi32>
        %parallel_loop3A_100 = arith.minsi %parallel_loop3A_97, %parallel_loop3A_99 : vector<16xi32>
        %parallel_loop3A_101 = arith.index_cast %parallel_loop3A_92 : i32 to index
        %parallel_loop3A_102 = tpu.vector_load %arg8[%parallel_loop3A_101] {strides = array<i32>} : memref<4480xf32, #tpu.memory_space<vmem>>, vector<16xf32>,
        %parallel_loop3A_103 = arith.constant 0 : i32
        %parallel_loop3A_104 = vector.broadcast %parallel_loop3A_103 : i32 to vector<16xi32>
        %parallel_loop3A_105 = tpu.vector_load_idx %arg10[%parallel_loop3A_104, %parallel_loop3A_94] : memref<8x4352xf32, #tpu.memory_space<vmem>>[vector<16xi32>, vector<16xi32>], vector<16xf32>,
        %parallel_loop3A_106 = tpu.vector_load_idx %arg10[%parallel_loop3A_104, %parallel_loop3A_100] : memref<8x4352xf32, #tpu.memory_space<vmem>>[vector<16xi32>, vector<16xi32>], vector<16xf32>,
        %parallel_loop3A_107 = arith.subf %parallel_loop3A_106, %parallel_loop3A_105 : vector<16xf32>
        %parallel_loop3A_108 = arith.mulf %parallel_loop3A_107, %parallel_loop3A_102 : vector<16xf32>
        %parallel_loop3A_109 = arith.addf %parallel_loop3A_105, %parallel_loop3A_108 : vector<16xf32>
        %parallel_loop3A_110 = arith.constant 0 : i32
        %parallel_loop3A_111 = arith.index_cast %parallel_loop3A_110 : i32 to index
        %parallel_loop3A_112 = arith.index_cast %parallel_loop3A_92 : i32 to index
        %parallel_loop3A_113 = tpu.vector_load %arg11[%parallel_loop3A_111, %parallel_loop3A_112] {strides = array<i32>} : memref<8x4480xf32, #tpu.memory_space<vmem>>, vector<16xf32>,
        tpu.vector_store %arg11[%parallel_loop3A_111, %parallel_loop3A_112], %parallel_loop3A_109 {strides = array<i32>} : memref<8x4480xf32, #tpu.memory_space<vmem>>, vector<16xf32>,
        %parallel_loop3A_114 = arith.constant 1 : i32
        %parallel_loop3A_115 = vector.broadcast %parallel_loop3A_114 : i32 to vector<16xi32>
        %parallel_loop3A_116 = tpu.vector_load_idx %arg10[%parallel_loop3A_115, %parallel_loop3A_94] : memref<8x4352xf32, #tpu.memory_space<vmem>>[vector<16xi32>, vector<16xi32>], vector<16xf32>,
        %parallel_loop3A_117 = tpu.vector_load_idx %arg10[%parallel_loop3A_115, %parallel_loop3A_100] : memref<8x4352xf32, #tpu.memory_space<vmem>>[vector<16xi32>, vector<16xi32>], vector<16xf32>,
        %parallel_loop3A_118 = arith.subf %parallel_loop3A_117, %parallel_loop3A_116 : vector<16xf32>
        %parallel_loop3A_119 = arith.mulf %parallel_loop3A_118, %parallel_loop3A_102 : vector<16xf32>
        %parallel_loop3A_120 = arith.addf %parallel_loop3A_116, %parallel_loop3A_119 : vector<16xf32>
        %parallel_loop3A_121 = arith.constant 1 : i32
        %parallel_loop3A_122 = arith.index_cast %parallel_loop3A_121 : i32 to index
        %parallel_loop3A_123 = arith.index_cast %parallel_loop3A_92 : i32 to index
        %parallel_loop3A_124 = tpu.vector_load %arg11[%parallel_loop3A_122, %parallel_loop3A_123] {strides = array<i32>} : memref<8x4480xf32, #tpu.memory_space<vmem>>, vector<16xf32>,
        tpu.vector_store %arg11[%parallel_loop3A_122, %parallel_loop3A_123], %parallel_loop3A_120 {strides = array<i32>} : memref<8x4480xf32, #tpu.memory_space<vmem>>, vector<16xf32>,
        %parallel_loop3A_125 = arith.constant 2 : i32
        %parallel_loop3A_126 = vector.broadcast %parallel_loop3A_125 : i32 to vector<16xi32>
        %parallel_loop3A_127 = tpu.vector_load_idx %arg10[%parallel_loop3A_126, %parallel_loop3A_94] : memref<8x4352xf32, #tpu.memory_space<vmem>>[vector<16xi32>, vector<16xi32>], vector<16xf32>,
        %parallel_loop3A_128 = tpu.vector_load_idx %arg10[%parallel_loop3A_126, %parallel_loop3A_100] : memref<8x4352xf32, #tpu.memory_space<vmem>>[vector<16xi32>, vector<16xi32>], vector<16xf32>,
        %parallel_loop3A_129 = arith.subf %parallel_loop3A_128, %parallel_loop3A_127 : vector<16xf32>
        %parallel_loop3A_130 = arith.mulf %parallel_loop3A_129, %parallel_loop3A_102 : vector<16xf32>
        %parallel_loop3A_131 = arith.addf %parallel_loop3A_127, %parallel_loop3A_130 : vector<16xf32>
        %parallel_loop3A_132 = arith.constant 2 : i32
        %parallel_loop3A_133 = arith.index_cast %parallel_loop3A_132 : i32 to index
        %parallel_loop3A_134 = arith.index_cast %parallel_loop3A_92 : i32 to index
        %parallel_loop3A_135 = tpu.vector_load %arg11[%parallel_loop3A_133, %parallel_loop3A_134] {strides = array<i32>} : memref<8x4480xf32, #tpu.memory_space<vmem>>, vector<16xf32>,
        tpu.vector_store %arg11[%parallel_loop3A_133, %parallel_loop3A_134], %parallel_loop3A_131 {strides = array<i32>} : memref<8x4480xf32, #tpu.memory_space<vmem>>, vector<16xf32>,
        %parallel_loop3A_136 = arith.constant 3 : i32
        %parallel_loop3A_137 = vector.broadcast %parallel_loop3A_136 : i32 to vector<16xi32>
        %parallel_loop3A_138 = tpu.vector_load_idx %arg10[%parallel_loop3A_137, %parallel_loop3A_94] : memref<8x4352xf32, #tpu.memory_space<vmem>>[vector<16xi32>, vector<16xi32>], vector<16xf32>,
        %parallel_loop3A_139 = tpu.vector_load_idx %arg10[%parallel_loop3A_137, %parallel_loop3A_100] : memref<8x4352xf32, #tpu.memory_space<vmem>>[vector<16xi32>, vector<16xi32>], vector<16xf32>,
        %parallel_loop3A_140 = arith.subf %parallel_loop3A_139, %parallel_loop3A_138 : vector<16xf32>
        %parallel_loop3A_141 = arith.mulf %parallel_loop3A_140, %parallel_loop3A_102 : vector<16xf32>
        %parallel_loop3A_142 = arith.addf %parallel_loop3A_138, %parallel_loop3A_141 : vector<16xf32>
        %parallel_loop3A_143 = arith.constant 3 : i32
        %parallel_loop3A_144 = arith.index_cast %parallel_loop3A_143 : i32 to index
        %parallel_loop3A_145 = arith.index_cast %parallel_loop3A_92 : i32 to index
        %parallel_loop3A_146 = tpu.vector_load %arg11[%parallel_loop3A_144, %parallel_loop3A_145] {strides = array<i32>} : memref<8x4480xf32, #tpu.memory_space<vmem>>, vector<16xf32>,
        tpu.vector_store %arg11[%parallel_loop3A_144, %parallel_loop3A_145], %parallel_loop3A_142 {strides = array<i32>} : memref<8x4480xf32, #tpu.memory_space<vmem>>, vector<16xf32>,
        %parallel_loop3A_147 = arith.constant 4 : i32
        %parallel_loop3A_148 = vector.broadcast %parallel_loop3A_147 : i32 to vector<16xi32>
        %parallel_loop3A_149 = tpu.vector_load_idx %arg10[%parallel_loop3A_148, %parallel_loop3A_94] : memref<8x4352xf32, #tpu.memory_space<vmem>>[vector<16xi32>, vector<16xi32>], vector<16xf32>,
        %parallel_loop3A_150 = tpu.vector_load_idx %arg10[%parallel_loop3A_148, %parallel_loop3A_100] : memref<8x4352xf32, #tpu.memory_space<vmem>>[vector<16xi32>, vector<16xi32>], vector<16xf32>,
        %parallel_loop3A_151 = arith.subf %parallel_loop3A_150, %parallel_loop3A_149 : vector<16xf32>
        %parallel_loop3A_152 = arith.mulf %parallel_loop3A_151, %parallel_loop3A_102 : vector<16xf32>
        %parallel_loop3A_153 = arith.addf %parallel_loop3A_149, %parallel_loop3A_152 : vector<16xf32>
        %parallel_loop3A_154 = arith.constant 4 : i32
        %parallel_loop3A_155 = arith.index_cast %parallel_loop3A_154 : i32 to index
        %parallel_loop3A_156 = arith.index_cast %parallel_loop3A_92 : i32 to index
        %parallel_loop3A_157 = tpu.vector_load %arg11[%parallel_loop3A_155, %parallel_loop3A_156] {strides = array<i32>} : memref<8x4480xf32, #tpu.memory_space<vmem>>, vector<16xf32>,
        tpu.vector_store %arg11[%parallel_loop3A_155, %parallel_loop3A_156], %parallel_loop3A_153 {strides = array<i32>} : memref<8x4480xf32, #tpu.memory_space<vmem>>, vector<16xf32>,
        %parallel_loop3A_158 = arith.constant 5 : i32
        %parallel_loop3A_159 = vector.broadcast %parallel_loop3A_158 : i32 to vector<16xi32>
        %parallel_loop3A_160 = tpu.vector_load_idx %arg10[%parallel_loop3A_159, %parallel_loop3A_94] : memref<8x4352xf32, #tpu.memory_space<vmem>>[vector<16xi32>, vector<16xi32>], vector<16xf32>,
        %parallel_loop3A_161 = tpu.vector_load_idx %arg10[%parallel_loop3A_159, %parallel_loop3A_100] : memref<8x4352xf32, #tpu.memory_space<vmem>>[vector<16xi32>, vector<16xi32>], vector<16xf32>,
        %parallel_loop3A_162 = arith.subf %parallel_loop3A_161, %parallel_loop3A_160 : vector<16xf32>
        %parallel_loop3A_163 = arith.mulf %parallel_loop3A_162, %parallel_loop3A_102 : vector<16xf32>
        %parallel_loop3A_164 = arith.addf %parallel_loop3A_160, %parallel_loop3A_163 : vector<16xf32>
        %parallel_loop3A_165 = arith.constant 5 : i32
        %parallel_loop3A_166 = arith.index_cast %parallel_loop3A_165 : i32 to index
        %parallel_loop3A_167 = arith.index_cast %parallel_loop3A_92 : i32 to index
        %parallel_loop3A_168 = tpu.vector_load %arg11[%parallel_loop3A_166, %parallel_loop3A_167] {strides = array<i32>} : memref<8x4480xf32, #tpu.memory_space<vmem>>, vector<16xf32>,
        tpu.vector_store %arg11[%parallel_loop3A_166, %parallel_loop3A_167], %parallel_loop3A_164 {strides = array<i32>} : memref<8x4480xf32, #tpu.memory_space<vmem>>, vector<16xf32>,
        %parallel_loop3A_169 = arith.constant 6 : i32
        %parallel_loop3A_170 = vector.broadcast %parallel_loop3A_169 : i32 to vector<16xi32>
        %parallel_loop3A_171 = tpu.vector_load_idx %arg10[%parallel_loop3A_170, %parallel_loop3A_94] : memref<8x4352xf32, #tpu.memory_space<vmem>>[vector<16xi32>, vector<16xi32>], vector<16xf32>,
        %parallel_loop3A_172 = tpu.vector_load_idx %arg10[%parallel_loop3A_170, %parallel_loop3A_100] : memref<8x4352xf32, #tpu.memory_space<vmem>>[vector<16xi32>, vector<16xi32>], vector<16xf32>,
        %parallel_loop3A_173 = arith.subf %parallel_loop3A_172, %parallel_loop3A_171 : vector<16xf32>
        %parallel_loop3A_174 = arith.mulf %parallel_loop3A_173, %parallel_loop3A_102 : vector<16xf32>
        %parallel_loop3A_175 = arith.addf %parallel_loop3A_171, %parallel_loop3A_174 : vector<16xf32>
        %parallel_loop3A_176 = arith.constant 6 : i32
        %parallel_loop3A_177 = arith.index_cast %parallel_loop3A_176 : i32 to index
        %parallel_loop3A_178 = arith.index_cast %parallel_loop3A_92 : i32 to index
        %parallel_loop3A_179 = tpu.vector_load %arg11[%parallel_loop3A_177, %parallel_loop3A_178] {strides = array<i32>} : memref<8x4480xf32, #tpu.memory_space<vmem>>, vector<16xf32>,
        tpu.vector_store %arg11[%parallel_loop3A_177, %parallel_loop3A_178], %parallel_loop3A_175 {strides = array<i32>} : memref<8x4480xf32, #tpu.memory_space<vmem>>, vector<16xf32>,
        %parallel_loop3A_180 = arith.constant 7 : i32
        %parallel_loop3A_181 = vector.broadcast %parallel_loop3A_180 : i32 to vector<16xi32>
        %parallel_loop3A_182 = tpu.vector_load_idx %arg10[%parallel_loop3A_181, %parallel_loop3A_94] : memref<8x4352xf32, #tpu.memory_space<vmem>>[vector<16xi32>, vector<16xi32>], vector<16xf32>,
        %parallel_loop3A_183 = tpu.vector_load_idx %arg10[%parallel_loop3A_181, %parallel_loop3A_100] : memref<8x4352xf32, #tpu.memory_space<vmem>>[vector<16xi32>, vector<16xi32>], vector<16xf32>,
        %parallel_loop3A_184 = arith.subf %parallel_loop3A_183, %parallel_loop3A_182 : vector<16xf32>
        %parallel_loop3A_185 = arith.mulf %parallel_loop3A_184, %parallel_loop3A_102 : vector<16xf32>
        %parallel_loop3A_186 = arith.addf %parallel_loop3A_182, %parallel_loop3A_185 : vector<16xf32>
        %parallel_loop3A_187 = arith.constant 7 : i32
        %parallel_loop3A_188 = arith.index_cast %parallel_loop3A_187 : i32 to index
        %parallel_loop3A_189 = arith.index_cast %parallel_loop3A_92 : i32 to index
        %parallel_loop3A_190 = tpu.vector_load %arg11[%parallel_loop3A_188, %parallel_loop3A_189] {strides = array<i32>} : memref<8x4480xf32, #tpu.memory_space<vmem>>, vector<16xf32>,
        tpu.vector_store %arg11[%parallel_loop3A_188, %parallel_loop3A_189], %parallel_loop3A_186 {strides = array<i32>} : memref<8x4480xf32, #tpu.memory_space<vmem>>, vector<16xf32>,
      } {sc.loop_unroll_factor = 2 : i64, sc.parallel_access}
      %mul3A_81 = arith.constant 8 : i32
      %mul3A_82 = arith.muli %add3A_59, %mul3A_81 : i32
      %multiple_of3A_83 = tpu.assume_multiple %mul3A_82, 8 : i32
      %not3A_84 = arith.constant true
      %not3A_85 = arith.xori %eq3A_3, %not3A_84 : i1
      %convert_element_type3A_86 = arith.extui %not3A_85 : i1 to i32
      %cond3A_87 = arith.constant 0 : i32
      %cond3A_88 = arith.cmpi ne, %convert_element_type3A_86, %cond3A_87 : i32
      scf.if %cond3A_88 {
        %dma_start3A_92 = tpu.memref_slice %arg5[%multiple_of3A_83, %multiple_of3A] : memref<128x142664xf32, #tpu.memory_space<hbm>> -> memref<8x4480xf32, #tpu.memory_space<hbm>>
        %dma_start3A_93 = tpu.memref_slice %arg5[%multiple_of3A_83, %multiple_of3A] : memref<128x142664xf32, #tpu.memory_space<hbm>> -> memref<8x4480xf32, #tpu.memory_space<hbm>>
        tpu.enqueue_dma source(%arg11 : memref<8x4480xf32, #tpu.memory_space<vmem>>) target(%dma_start3A_93 : memref<8x4480xf32, #tpu.memory_space<hbm>>) target_semaphore(%arg14 : memref<!tpu.dma_semaphore, #tpu.memory_space<semaphore_mem>>)
      } else {
      }
      %convert_element_type3A_89 = arith.extui %eq3A_3 : i1 to i32
      %cond3A_90 = arith.constant 0 : i32
      %cond3A_91 = arith.cmpi ne, %convert_element_type3A_89, %cond3A_90 : i32
      scf.if %cond3A_91 {
        %dma_start3A_92 = arith.constant 0 : i32
        %dma_start3A_93 = arith.constant 0 : i32
        %dma_start3A_94 = tpu.memref_slice %arg11[%dma_start3A_92, %dma_start3A_93] : memref<8x4480xf32, #tpu.memory_space<vmem>> -> memref<8x3712xf32, #tpu.memory_space<vmem>>
        %dma_start3A_95 = tpu.memref_slice %arg5[%multiple_of3A_83, %multiple_of3A] : memref<128x142664xf32, #tpu.memory_space<hbm>> -> memref<8x3712xf32, #tpu.memory_space<hbm>>
        %dma_start3A_96 = tpu.memref_slice %arg5[%multiple_of3A_83, %multiple_of3A] : memref<128x142664xf32, #tpu.memory_space<hbm>> -> memref<8x3712xf32, #tpu.memory_space<hbm>>
        %dma_start3A_97 = arith.constant 0 : i32
        %dma_start3A_98 = arith.constant 0 : i32
        %dma_start3A_99 = tpu.memref_slice %arg11[%dma_start3A_97, %dma_start3A_98] : memref<8x4480xf32, #tpu.memory_space<vmem>> -> memref<8x3712xf32, #tpu.memory_space<vmem>>
        tpu.enqueue_dma source(%dma_start3A_99 : memref<8x3712xf32, #tpu.memory_space<vmem>>) target(%dma_start3A_96 : memref<8x3712xf32, #tpu.memory_space<hbm>>) target_semaphore(%arg14 : memref<!tpu.dma_semaphore, #tpu.memory_space<semaphore_mem>>)
        %dma_start3A_100 = arith.constant 0 : i32
        %dma_start3A_101 = arith.constant 3712 : i32
        %dma_start3A_102 = tpu.memref_slice %arg11[%dma_start3A_100, %dma_start3A_101] : memref<8x4480xf32, #tpu.memory_space<vmem>> -> memref<8x128xf32, #tpu.memory_space<vmem>>
        %dma_start3A_103 = arith.constant 0 : i32
        %dma_start3A_104 = tpu.memref_slice %arg6[%multiple_of3A_83, %dma_start3A_103] : memref<128x128xf32, #tpu.memory_space<hbm>> -> memref<8x128xf32, #tpu.memory_space<hbm>>
        %dma_start3A_105 = arith.constant 0 : i32
        %dma_start3A_106 = tpu.memref_slice %arg6[%multiple_of3A_83, %dma_start3A_105] : memref<128x128xf32, #tpu.memory_space<hbm>> -> memref<8x128xf32, #tpu.memory_space<hbm>>
        %dma_start3A_107 = arith.constant 0 : i32
        %dma_start3A_108 = arith.constant 3712 : i32
        %dma_start3A_109 = tpu.memref_slice %arg11[%dma_start3A_107, %dma_start3A_108] : memref<8x4480xf32, #tpu.memory_space<vmem>> -> memref<8x128xf32, #tpu.memory_space<vmem>>
        tpu.enqueue_dma source(%dma_start3A_109 : memref<8x128xf32, #tpu.memory_space<vmem>>) target(%dma_start3A_106 : memref<8x128xf32, #tpu.memory_space<hbm>>) target_semaphore(%arg14 : memref<!tpu.dma_semaphore, #tpu.memory_space<semaphore_mem>>)
      } else {
      }
    }
    %scan3A_16 = arith.constant 8 : i32
    %not3A = arith.constant true
    %not3A_17 = arith.xori %eq3A_3, %not3A : i1
    %convert_element_type3A = arith.extui %not3A_17 : i1 to i32
    %cond3A = arith.constant 0 : i32
    %cond3A_18 = arith.cmpi ne, %convert_element_type3A, %cond3A : i32
    scf.if %cond3A_18 {
      %dma_wait3A = arith.constant 0 : i32
      %dma_wait3A_22 = arith.constant 0 : i32
      %dma_wait3A_23 = tpu.memref_slice %arg5[%dma_wait3A, %dma_wait3A_22] : memref<128x142664xf32, #tpu.memory_space<hbm>> -> memref<8x4480xf32, #tpu.memory_space<hbm>>
      %dma_wait3A_24 = arith.constant 0 : i32
      %dma_wait3A_25 = arith.constant 0 : i32
      %dma_wait3A_26 = tpu.memref_slice %arg5[%dma_wait3A_24, %dma_wait3A_25] : memref<128x142664xf32, #tpu.memory_space<hbm>> -> memref<8x4480xf32, #tpu.memory_space<hbm>>
      tpu.wait_dma2 semaphore(%arg14 : memref<!tpu.dma_semaphore, #tpu.memory_space<semaphore_mem>>) src(%arg11 : memref<8x4480xf32, #tpu.memory_space<vmem>>) dst(%dma_wait3A_26 : memref<8x4480xf32, #tpu.memory_space<hbm>>)
    } else {
    }
    %convert_element_type3A_19 = arith.extui %eq3A_3 : i1 to i32
    %cond3A_20 = arith.constant 0 : i32
    %cond3A_21 = arith.cmpi ne, %convert_element_type3A_19, %cond3A_20 : i32
    scf.if %cond3A_21 {
      %dma_wait3A = arith.constant 0 : i32
      %dma_wait3A_22 = arith.constant 0 : i32
      %dma_wait3A_23 = tpu.memref_slice %arg11[%dma_wait3A, %dma_wait3A_22] : memref<8x4480xf32, #tpu.memory_space<vmem>> -> memref<8x3712xf32, #tpu.memory_space<vmem>>
      %dma_wait3A_24 = arith.constant 0 : i32
      %dma_wait3A_25 = arith.constant 0 : i32
      %dma_wait3A_26 = tpu.memref_slice %arg5[%dma_wait3A_24, %dma_wait3A_25] : memref<128x142664xf32, #tpu.memory_space<hbm>> -> memref<8x3712xf32, #tpu.memory_space<hbm>>
      %dma_wait3A_27 = arith.constant 0 : i32
      %dma_wait3A_28 = arith.constant 0 : i32
      %dma_wait3A_29 = tpu.memref_slice %arg5[%dma_wait3A_27, %dma_wait3A_28] : memref<128x142664xf32, #tpu.memory_space<hbm>> -> memref<8x3712xf32, #tpu.memory_space<hbm>>
      %dma_wait3A_30 = arith.constant 0 : i32
      %dma_wait3A_31 = arith.constant 0 : i32
      %dma_wait3A_32 = tpu.memref_slice %arg11[%dma_wait3A_30, %dma_wait3A_31] : memref<8x4480xf32, #tpu.memory_space<vmem>> -> memref<8x3712xf32, #tpu.memory_space<vmem>>
      tpu.wait_dma2 semaphore(%arg14 : memref<!tpu.dma_semaphore, #tpu.memory_space<semaphore_mem>>) src(%dma_wait3A_32 : memref<8x3712xf32, #tpu.memory_space<vmem>>) dst(%dma_wait3A_29 : memref<8x3712xf32, #tpu.memory_space<hbm>>)
      %dma_wait3A_33 = arith.constant 0 : i32
      %dma_wait3A_34 = arith.constant 3712 : i32
      %dma_wait3A_35 = tpu.memref_slice %arg11[%dma_wait3A_33, %dma_wait3A_34] : memref<8x4480xf32, #tpu.memory_space<vmem>> -> memref<8x128xf32, #tpu.memory_space<vmem>>
      %dma_wait3A_36 = arith.constant 0 : i32
      %dma_wait3A_37 = arith.constant 0 : i32
      %dma_wait3A_38 = tpu.memref_slice %arg6[%dma_wait3A_36, %dma_wait3A_37] : memref<128x128xf32, #tpu.memory_space<hbm>> -> memref<8x128xf32, #tpu.memory_space<hbm>>
      %dma_wait3A_39 = arith.constant 0 : i32
      %dma_wait3A_40 = arith.constant 0 : i32
      %dma_wait3A_41 = tpu.memref_slice %arg6[%dma_wait3A_39, %dma_wait3A_40] : memref<128x128xf32, #tpu.memory_space<hbm>> -> memref<8x128xf32, #tpu.memory_space<hbm>>
      %dma_wait3A_42 = arith.constant 0 : i32
      %dma_wait3A_43 = arith.constant 3712 : i32
      %dma_wait3A_44 = tpu.memref_slice %arg11[%dma_wait3A_42, %dma_wait3A_43] : memref<8x4480xf32, #tpu.memory_space<vmem>> -> memref<8x128xf32, #tpu.memory_space<vmem>>
      tpu.wait_dma2 semaphore(%arg14 : memref<!tpu.dma_semaphore, #tpu.memory_space<semaphore_mem>>) src(%dma_wait3A_44 : memref<8x128xf32, #tpu.memory_space<vmem>>) dst(%dma_wait3A_41 : memref<8x128xf32, #tpu.memory_space<hbm>>)
    } else {
    }
    return
  }
}

</mosaic_0001>

<sc_bundles>
// kernel: kernel.3.cloned.1.call-start
scs
__scs_entry_jumppad:
0x0: {  	(pc) =	sbr.rel $0x88, $3  }
0x1: {  	(tag) =	ssettag $0x0;
	lr =	simm.s32 $0x1  }
0x2: {  	[smem:$0x3F9E] =	sst lr;
	_ =	strace $0xD0000000  }
0x3: {  	_ = 	snop  }
0x4: {  	_ = 	snop  }
0x5: {  	_ = 	snop  }
0x6: {  	_ = 	snop  }
0x7: {  	_ = 	snop  }
__scs_overlays_trampoline_lowered:
0x8: {  	[smem:$0x3FAD] =	sst s0  }
0x9: {  	[smem:$0x3FAE] =	sst s1  }
0xa: {  	[smem:$0x3FAF] =	sst s2  }
0xb: {  	[smem:$0x3FB0] =	sst s3  }
0xc: {  	[smem:$0x3FB1] =	sst s4  }
0xd: {  	[smem:$0x3FB2] =	sst s5  }
0xe: {  	[smem:$0x3FB3] =	sst s6  }
0xf: {  	[smem:$0x3FB4] =	sst s7  }
0x10: {  	[smem:$0x3FB5] =	sst s8  }
0x11: {  	[smem:$0x3FB6] =	sst s9;
	s0 =	simm.s32 @!p0 $0x0  }
0x12: {  	s1 =	sld [smem:$0x3F9C];
	s0 =	simm.s32 @p0 $0x1  }
0x13: {  	[smem:$0x3FB7] =	sst s0;
	s0 =	simm.s32 @!p1 $0x0  }
0x14: {  	s2 =	sld [smem:$0x3F9B];
	s0 =	simm.s32 @p1 $0x1  }
0x15: {  	[smem:$0x3FB8] =	sst s0;
	s0 =	simm.s32 @!p2 $0x0  }
0x16: {  	s3 =	sld [smem:$0x3FDB];
	s0 =	simm.s32 @p2 $0x1  }
0x17: {  	s4 =	simm.s32 $0x1BF5;
	[smem:$0x3FBA] =	sst s0  }
0x18: {  	s0 =	sld [smem:$0x3F9D];
	_ =	swait.ge [sflag:s4], $0x0  }
0x19: {  	s7 =	sld [smem:$0x3F9E]  }
0x1a: {  	s8 =	sadd.s32 $0xFFFFE003, lr  }
0x1b: {  	s9 =	sadd.s32 $0xFFFFFEF7, lr;
	s5 =	simm.s32 $0xFFFFFFFF;
	p2 =	slt.u32 s8, $0xFFFFF086  }
0x1c: {  	p1 =	slt.u32 s9, $0xF7A;
	s5 =	simm.s32 @!p2 $0x0  }
0x1d: {  	s5 =	simm.s32 @p1 $0x1;
	p0 =	seq.s32 s7, s2  }
0x1e: {  	s7 =	smul.u32 @!p0 $0xF7A, s2;
	p2 =	seq.s32 @!p0 s5, $0x0  }
0x1f: {  	s9 =	smul.u32 $0xF7A, s1;
	s8 =	simm.s32 @!p0 $0x1BF5;
	p2 =	por !p2, p0  }
0x20: {  	[sflag:s8] =	ssyncset.s32 @!p0 $0xFFFFF086;
	s6 =	sadd.s32 @!p0 s3, s7;
	s7 =	simm.s32 @!p0 $0x108  }
0x21: {  	s3 =	sadd.s32 s3, s9;
	s6 =	sadd.s32 @!p0 $0x88, s6;
	s7 =	simm.s32 @p2 $0x1082  }
0x22: {  	[simem:s7], [sflag:s8] =	dma.local @!p0 [hbm:s6], $0xF7A  }
0x23: {  	s9 =	sor.u32 $0xD0000000, s2;
	s6 =	simm.s32 $0x108;
	_ =	swait.ge @!p0 [sflag:s8], $0x0  }
0x24: {  	s3 =	sadd.s32 $0x88, s3;
	s6 =	simm.s32 @!p1 $0x1082;
	[sflag:s4] =	ssyncset.s32 $0xFFFFF086  }
0x25: {  	[simem:s6], [sflag:s4] =	dma.local [hbm:s3], $0xF7A  }
0x26: {  	[smem:$0x3F9E] =	sst s1;
	(tag) =	ssettag s2;
	_ =	strace s9  }
0x27: {  	s1 =	sld [smem:$0x3FAE]  }
0x28: {  	s2 =	sld [smem:$0x3FAF]  }
0x29: {  	s4 =	sld [smem:$0x3FB1]  }
0x2a: {  	p0 =	seq.s32 s5, $0x0;
	s5 =	sld [smem:$0x3FB2]  }
0x2b: {  	s6 =	sld [smem:$0x3FB3]  }
0x2c: {  	s7 =	sld [smem:$0x3FB4]  }
0x2d: {  	s3 =	simm.s32 $0x108;
	s8 =	sld [smem:$0x3FB5]  }
0x2e: {  	s3 =	simm.s32 @!p0 $0x1082;
	s9 =	sld [smem:$0x3FB6]  }
0x2f: {  	lr =	sadd.s32 s0, s3;
	s0 =	sld [smem:$0x3FAD]  }
0x30: {  	s3 =	sld [smem:$0x3FB0]  }
0x31: {  	[smem:$0x3FB9] =	sst s10  }
0x32: {  	s10 =	sld [smem:$0x3FB7];
	_ =	sdelay $0x3  }
0x33: {  	p0 =	seq.s32 s10, $0x1;
	s10 =	sld [smem:$0x3FB9];
	_ =	sdelay $0x3  }
0x34: {  	[smem:$0x3FB9] =	sst s10  }
0x35: {  	s10 =	sld [smem:$0x3FB8];
	_ =	sdelay $0x3  }
0x36: {  	p1 =	seq.s32 s10, $0x1;
	s10 =	sld [smem:$0x3FB9];
	_ =	sdelay $0x3  }
0x37: {  	[smem:$0x3FB9] =	sst s10  }
0x38: {  	s10 =	sld [smem:$0x3FBA]  }
0x39: {  	_ = 	snop;
	(pc) =	sbr.ind lr, $3  }
0x3a: {  	_ = 	snop  }
0x3b: {  	_ = 	snop  }
0x3c: {  	p2 =	seq.s32 s10, $0x1;
	s10 =	sld [smem:$0x3FB9]  }
0x3d: {  	_ =	shalt  }
0x3e: {  	_ =	shalt  }
0x3f: {  	_ =	shalt  }
0x40: {  	_ =	shalt  }
0x41: {  	_ =	shalt  }
0x42: {  	_ =	shalt  }
0x43: {  	_ =	shalt  }
0x44: {  	_ =	shalt  }
0x45: {  	_ =	shalt  }
0x46: {  	_ =	shalt  }
0x47: {  	_ =	shalt  }
0x48: {  	_ =	shalt  }
0x49: {  	_ =	shalt  }
0x4a: {  	_ =	shalt  }
0x4b: {  	_ =	shalt  }
0x4c: {  	_ =	shalt  }
0x4d: {  	_ =	shalt  }
0x4e: {  	_ =	shalt  }
0x4f: {  	_ =	shalt  }
0x50: {  	_ =	shalt  }
0x51: {  	_ =	shalt  }
0x52: {  	_ =	shalt  }
0x53: {  	_ =	shalt  }
0x54: {  	_ =	shalt  }
0x55: {  	_ =	shalt  }
0x56: {  	_ =	shalt  }
0x57: {  	_ =	shalt  }
0x58: {  	_ =	shalt  }
0x59: {  	_ =	shalt  }
0x5a: {  	_ =	shalt  }
0x5b: {  	_ =	shalt  }
0x5c: {  	_ =	shalt  }
0x5d: {  	_ =	shalt  }
0x5e: {  	_ =	shalt  }
0x5f: {  	_ =	shalt  }
0x60: {  	_ =	shalt  }
0x61: {  	_ =	shalt  }
0x62: {  	_ =	shalt  }
0x63: {  	_ =	shalt  }
0x64: {  	_ =	shalt  }
0x65: {  	_ =	shalt  }
0x66: {  	_ =	shalt  }
0x67: {  	_ =	shalt  }
0x68: {  	_ =	shalt  }
0x69: {  	_ =	shalt  }
0x6a: {  	_ =	shalt  }
0x6b: {  	_ =	shalt  }
0x6c: {  	_ =	shalt  }
0x6d: {  	_ =	shalt  }
0x6e: {  	_ =	shalt  }
0x6f: {  	_ =	shalt  }
0x70: {  	_ =	shalt  }
0x71: {  	_ =	shalt  }
0x72: {  	_ =	shalt  }
0x73: {  	_ =	shalt  }
0x74: {  	_ =	shalt  }
0x75: {  	_ =	shalt  }
0x76: {  	_ =	shalt  }
0x77: {  	_ =	shalt  }
0x78: {  	_ =	shalt  }
0x79: {  	_ =	shalt  }
0x7a: {  	_ =	shalt  }
0x7b: {  	_ =	shalt  }
0x7c: {  	_ =	shalt  }
0x7d: {  	_ =	shalt  }
0x7e: {  	_ =	shalt  }
0x7f: {  	_ =	shalt  }
0x80: {  	_ =	shalt  }
0x81: {  	_ =	shalt  }
0x82: {  	_ =	shalt  }
0x83: {  	_ =	shalt  }
0x84: {  	_ =	shalt  }
0x85: {  	_ =	shalt  }
0x86: {  	_ =	shalt  }
0x87: {  	_ =	shalt  }
.Lfunc_end0:
.L_simem_size_0:
called_computation.1_lowered:
.L_overlay_start_0:
0x88: {  	s2 =	sld [smem:$0x3FD9]  }
0x89: {  	s3 =	sld [smem:$0x3FFE];
	_ =	sdelay $0x1  }
0x8a: {  	s1 =	srdreg.scid  }
0x8b: {  	s0 =	sand.u32 $0x1, s1  }
0x8c: {  	s17 =	sshll.u32 s0, $0xA;
	s2 =	sadd.s32 s3, s2  }
0x8d: {  	s2 =	sadd.s32 s2, s17  }
0x8e: {  	[smem:$0x3FC5] =	sst s2  }
0x8f: {  	_ = 	snop  }
0x90: {  	s2 =	sld [smem:$0x3FC9]  }
0x91: {  	s18 =	sld [smem:$0x3FD0];
	(tm) =	ssettm $0x1  }
0x92: {  	s4 =	sld [smem:$0x3FFB];
	_ =	sdelay $0x3  }
0x93: {  	_ =	strace s4  }
0x94: {  	s4 =	sld [smem:$0x3FFC];
	_ =	sdelay $0x3  }
0x95: {  	_ =	strace s4  }
0x96: {  	s4 =	sld [smem:$0x3FFD];
	_ =	sdelay $0x3  }
0x97: {  	_ =	strace s4  }
0x98: {  	_ =	strace $0x8FFFFFFF  }
0x99: {  	s19 =	sld [smem:$0x3FDB];
	_ =	sdelay $0x1  }
0x9a: {  	s5 =	simm.s32 $_scs_section_size  }
0x9b: {  	s6 =	simm.s32 $_size__tile_overlayer_lowered;
	s7 =	simm.s32 $_tile_overlayer_lowered  }
0x9c: {  	s22 =	simm.s32 $0x1BFF;
	s21 =	sshll.u32 s7, $0x1;
	s4 =	sadd.s32 s5, s19  }
0x9d: {  	s8 =	simm.s32 $0x0;
	s20 =	sshll.u32 s6, $0x1;
	s6 =	sadd.s32 s21, s4  }
0x9e: {  	[timem:s8], [sflag:s22] =	dma.local [hbm:s6], s20  }
0x9f: {  	_ =	swait.ge [sflag:s22], s20  }
0xa0: {  	s5 =	ssub.s32 $0x0, s20;
	[sflag:s22] =	ssyncset.done $0x0  }
0xa1: {  	[sflag:s22] =	ssyncadd.s32 s5;
	_ =	sdelay $0x1  }
0xa2: {  	s23 =	simm.s32 $0x1B8B  }
0xa3: {  	_ =	swait.ge [sflag:s23], $0x1  }
0xa4: {  	[sflag:s23] =	ssyncset.done $0x0  }
0xa5: {  	s25 =	simm.s32 $0x1B8E;
	s24 =	sld [smem:$0x3FFE];
	[sflag:s23] =	ssyncadd.s32 $0xFFFFFFFF  }
0xa6: {  	s26 =	simm.s32 $execute0_lowered;
	[smem:$0x3FD2] =	sst s25  }
0xa7: {  	s6 =	sshll.u32 s26, $0x1;
	_ =	strace $0x80000046;
	[dreg:$0x1] =	wrdreg $0xFFFFFFFF  }
0xa8: {  	s28 =	simm.s32 $_size_execute0_lowered;
	s4 =	sadd.s32 s4, s6;
	[dreg:$0x0] =	wrdreg $0x0  }
0xa9: {  	s6 =	sshll.u32 s28, $0x1;
	[dreg:$0x2] =	wrdreg s4  }
0xaa: {  	[dreg:$0x3] =	wrdreg s6  }
0xab: {  	[dreg:$0x4] =	wrdreg $0xC0  }
0xac: {  	_ =	task [dreg:s8], $0x5FFFF  }
0xad: {  	[dreg:$0x1] =	wrdreg $0xFFFFFFFF  }
0xae: {  	[dreg:$0x0] =	wrdreg $0x60  }
0xaf: {  	[dreg:$0x2] =	wrdreg s2  }
0xb0: {  	[dreg:$0x3] =	wrdreg s18  }
0xb1: {  	[dreg:$0x4] =	wrdreg s24  }
0xb2: {  	[dreg:$0x5] =	wrdreg $0x9  }
0xb3: {  	_ =	task.clear_ibuf [dreg:s8], $0x6FFFF;
	_ =	strace $0x90000046  }
0xb4: {  	s29 =	simm.s32 $0x9;
	_ =	strace $0x80000048  }
0xb5: {  	_ =	swait.ge [sflag:s29], $0x1  }
0xb6: {  	[sflag:s29] =	ssyncadd.s32 $0xFFFFFFFF  }
0xb7: {  	_ =	strace $0x90000048  }
0xb8: {  	_ =	sfence  }
0xb9: {  	s30 =	sld [smem:$0x0];
	_ =	sdelay $0x2  }
0xba: {  	s31 =	sshll.u32 s1, $0xD;
	s1 =	sshrl.u32 s1, $0x2  }
0xbb: {  	s3 =	sand.u32 $0x4000, s31;
	s1 =	sadd.s32 s1, s30  }
0xbc: {  	s0 =	sor.u32 s3, s0;
	s1 =	sshll.u32 s1, $0x11  }
0xbd: {  	s0 =	sor.u32 s1, s0  }
0xbe: {  	s0 =	sadd.s32 $0x8F2B, s0  }
0xbf: {  	[sflag:s0] =	ssyncadd.remote.s32 $0x1  }
0xc0: {  	_ =	sfence.sel $0xFFFF  }
0xc1: {  	[dreg:$0x0] =	wrdreg $0xFFFFFFFF;
	(pc) =	sbr.abs _section_cstart, $3  }
0xc2: {  	[dreg:$0x1] =	wrdreg $0xFFFFFFFF  }
0xc3: {  	_ =	task.clear_ibuf [dreg:s8], $0x2FFFF;
	_ =	strace $0x9FFFFFFF  }
0xc4: {  	(tm) =	ssettm $0x7FFFFFFF  }
0xc5: {  	_ =	shalt  }
tec
execute0_lowered:
.L_overlay_start_1:
0x0: {  	(tag) =	ssettag $0x1  }
0x1: {  	s8 =	rddreg [dreg:$0x0];
	s0 =	srdreg.scid  }
0x2: {  	s2 =	stileid.u32;
	s1 =	rddreg [dreg:$0x1]  }
0x3: {  	s3 =	rddreg [dreg:$0x2];
	s4 =	simm.s32 $0x0;
	s14 =	simm.s32 $0x2300  }
0x4: {  	s15 =	simm.s32 $0xAB00;
	s16 =	simm.s32 $0x1;
	s17 =	simm.s32 $0x2  }
0x5: {  	s23 =	simm.s32 $0x0;
	s0 =	sand.u32 $0x1, s0;
	s2 =	sshll.u32 s2, $0x1  }
0x6: {  	[smem:$0x7FF] =	sst s4;
	s5 =	sadd.s32 $0x5200, s3;
	s10 =	sor.u32 s0, s2  }
0x7: {  	s6 =	sadd.s32 $0x232A00, s3;
	s31 =	sadd.s32 $0x40000, s8;
	s2 =	smul.u32 $0x230, s10  }
0x8: {  	_ =	strace $0x80000047;
	s0 =	ssub.s32 $0x2, s0;
	s9 =	smul.u32 $0x8C00, s10  }
.Ltmp0:
0x9: {  	[dreg:$0x7] =	wrdreg s31;
	s29 =	sshrl.u32 s0, $0x1;
	(pc) =	sbr.rel .LBB2_1-.Ltmp0, $4  }
0xa: {  	[dreg:$0x4] =	wrdreg s10;
	s0 =	ssub.s32 s0, s29;
	s1 =	sadd.s32 s1, s2  }
0xb: {  	s7 =	sadd.s32 s2, s3;
	s0 =	smax.u32 s0, $0x1;
	[dreg:$0x6] =	wrdreg s1  }
0xc: {  	p0 =	seq.s32 s10, $0x1F;
	s30 =	sadd.s32 $0xC00, s7;
	[dreg:$0x8] =	wrdreg s0  }
0xd: {  	p1 =	sne.s32 s10, $0x1F;
	s1 =	simm.s32 $0x0;
	[dreg:$0x5] =	wrdreg s30  }
.LBB2_12:
0xe: {  	s0 =	simm.s32 $0x3  }
0xf: {  	_ =	swait.ge [sflag:s0], $0x8C00  }
0x10: {  	[sflag:s0] =	ssyncset.done $0x0  }
0x11: {  	s1 =	rddreg [dreg:$0x9];
	[sflag:s0] =	ssyncadd.s32 $0xFFFF7400  }
.LBB2_13:
0x12: {  	s1 =	sadd.s32 $0x1, s1;
	s0 =	rddreg [dreg:$0x8]  }
0x13: {  	p2 =	sne.s32 s1, s0  }
.Ltmp1:
0x14: {  	_ = 	snop;
	(pc) =	sbr.rel @!p2 .LBB2_14-.Ltmp1, $1  }
0x15: {  	_ =	sdelay $0x3  }
.LBB2_1:
0x16: {  	[dreg:$0x9] =	wrdreg s1  }
0x17: {  	s0 =	rddreg [dreg:$0x5];
	s29 =	simm.s32 $0x4  }
0x18: {  	[tilespmem:s4], [sflag:$0x4] =	stream.linear.gather [hbm4b:s0+s4], $0x1180, $0x38;
	[tilespmem:$0x1BF00] =	vst v63  }
0x19: {  	_ =	swait.ge [sflag:s29], $0x1180  }
0x1a: {  	[sflag:s29] =	ssyncset.done $0x0  }
0x1b: {  	s2 =	simm.s32 $0x1180;
	s30 =	rddreg [dreg:$0x6];
	[sflag:s29] =	ssyncadd.s32 $0xFFFFEE80  }
0x1c: {  	[tilespmem:s2], [sflag:$0x4] =	stream.linear.gather [hbm4b:s30+s4], $0x1180, $0x38;
	[tilespmem:$0x1BF00] =	vst v63  }
0x1d: {  	_ =	swait.ge [sflag:s29], $0x1180  }
0x1e: {  	[sflag:s29] =	ssyncset.done $0x0  }
0x1f: {  	[sflag:s29] =	ssyncadd.s32 $0xFFFFEE80  }
0x20: {  	v0 =	vld [tilespmem:$0x0];
	_ =	sdelay $0x4  }
0x21: {  	(v2sf) =	vpush v0, $0x0;
	_ =	sdelay $0xd  }
0x22: {  	s1 =	simm.s32 $0x20  }
0x23: {  	v1 =	vld [tilespmem:s1+$0xFFFFFFE0];
	s31 =	spop (v2sf)  }
0x24: {  	v3 =	vld [tilespmem:s1+$0x0];
	s0 =	sand.u32 $0xFFFFFF80, s31  }
0x25: {  	v2 =	vld [tilespmem:s1+$0x10];
	p2 =	slt.s32 s0, $0x1EF00  }
0x26: {  	v4 =	vld [tilespmem:s1+$0xFFFFFFF0];
	s0 =	simm.s32 @!p2 $0x1EF00  }
0x27: {  	v0 =	vmov s0  }
0x28: {  	s2 =	simm.s32 $0x60;
	v5 =	vsub.s32 v1, v0  }
0x29: {  	v1 =	vld [tilespmem:s2+$0xFFFFFFE0];
	v6 =	vsub.s32 v3, v0;
	[tilespmem:s1+$0xFFFFFFE0] =	vst v5  }
0x2a: {  	v3 =	vld [tilespmem:s2+$0x0];
	v5 =	vsub.s32 v2, v0;
	[tilespmem:s1+$0x0] =	vst v6  }
0x2b: {  	s3 =	simm.s32 $0x40;
	v4 =	vsub.s32 v4, v0;
	v2 =	vld [tilespmem:s2+$0x10];
	[tilespmem:s1+$0x10] =	vst v5  }
.LBB2_2:
0x2c: {  	s3 =	sadd.s32 $0x40, s3  }
0x2d: {  	v5 =	vld [tilespmem:s2+$0xFFFFFFF0];
	[tilespmem:s1+$0xFFFFFFF0] =	vst v4;
	s1 =	smov.u32 s2;
	p2 =	slt.u32 s3, $0x1140  }
.Ltmp2:
0x2e: {  	(pc) =	sbr.rel @p2 .LBB2_2-.Ltmp2, $4  }
0x2f: {  	s2 =	sadd.s32 $0x40, s2;
	v4 =	vsub.s32 v1, v0  }
0x30: {  	v1 =	vld [tilespmem:s2+$0xFFFFFFE0];
	[tilespmem:s1+$0xFFFFFFE0] =	vst v4;
	v4 =	vsub.s32 v2, v0  }
0x31: {  	v2 =	vld [tilespmem:s2+$0x10];
	v6 =	vsub.s32 v3, v0;
	[tilespmem:s1+$0x10] =	vst v4  }
0x32: {  	v3 =	vld [tilespmem:s2+$0x0];
	v4 =	vsub.s32 v5, v0;
	[tilespmem:s1+$0x0] =	vst v6  }
0x33: {  	v5 =	vld [tilespmem:s2+$0xFFFFFFF0];
	_ =	sdelay $0x1  }
0x34: {  	[tilespmem:s1+$0xFFFFFFF0] =	vst v4;
	v1 =	vsub.s32 v1, v0  }
0x35: {  	[tilespmem:s2+$0xFFFFFFE0] =	vst v1;
	v61 =	vsub.s32 v2, v0  }
0x36: {  	v62 =	vsub.s32 v3, v0;
	[tilespmem:s2+$0x10] =	vst v61  }
0x37: {  	s29 =	rddreg [dreg:$0x0];
	v63 =	vsub.s32 v5, v0;
	[tilespmem:s2+$0x0] =	vst v62  }
.Ltmp3:
0x38: {  	s1 =	sadd.s32 s29, s0;
	[tilespmem:s2+$0xFFFFFFF0] =	vst v63;
	(pc) =	sbr.rel .LBB2_4-.Ltmp3, $4  }
0x39: {  	[tilespmem:s14], [sflag:$0x1] =	stream.linear.gather [hbm4b:s1+s23], $0x8800, $0x38;
	[tilespmem:$0x1BF00] =	vst v63  }
0x3a: {  	s30 =	rddreg [dreg:$0x7]  }
0x3b: {  	[dreg:$0xa] =	wrdreg s1;
	s31 =	sadd.s32 s0, s30  }
0x3c: {  	s25 =	simm.s32 $0x0;
	[dreg:$0xb] =	wrdreg s31  }
.LBB2_11:
0x3d: {  	s25 =	sadd.s32 $0x1, s25  }
0x3e: {  	p2 =	sne.s32 s25, $0x8  }
.Ltmp4:
0x3f: {  	_ = 	snop;
	(pc) =	sbr.rel @!p2 .LBB2_12-.Ltmp4, $4  }
0x40: {  	s0 =	sadd.s32 s9, s0  }
0x41: {  	s0 =	sshrl.u32 s0, $0x3  }
0x42: {  	s1 =	simm.s32 $0x13300;
	s0 =	sadd.s32 s5, s0  }
0x43: {  	[hbm4b:s0+s4] =	stream.linear.scatter [tilespmem:s1], [sflag:$0x3], $0x8C00, $0x38;
	[tilespmem:$0x1BF00] =	vst v63  }
.LBB2_4:
0x44: {  	s26 =	sshllo.u32 s25, $0x1  }
0x45: {  	s1 =	rddreg [dreg:$0xa];
	s0 =	sshll.u32 s26, $0x11  }
0x46: {  	s0 =	sadd.s32 s0, s1  }
0x47: {  	[tilespmem:s15], [sflag:$0x2] =	stream.linear.gather [hbm4b:s0+s4], $0x8800, $0x38;
	[tilespmem:$0x1BF00] =	vst v63  }
0x48: {  	_ =	swait.ge [sflag:s16], $0x8800  }
0x49: {  	p2 =	seq.s32 s25, $0x0;
	s0 =	rddreg [dreg:$0x4]  }
0x4a: {  	p3 =	seq.s32 @!p2 s0, $0x1F  }
0x4b: {  	[sflag:s16] =	ssyncset.done $0x0;
	p4 =	por !p3, p2  }
0x4c: {  	[sflag:s16] =	ssyncadd.s32 $0xFFFF7800;
	s0 =	simm.s32 @!p4 $0x3  }
0x4d: {  	_ =	swait.ge @!p4 [sflag:s0], $0x7400  }
0x4e: {  	[sflag:s0] =	ssyncset.done @!p4 $0x0  }
0x4f: {  	[sflag:s0] =	ssyncadd.s32 @!p4 $0xFFFF8C00  }
0x50: {  	_ =	swait.ge @!p4 [sflag:s0], $0x400  }
0x51: {  	p2 =	por p3, p2;
	[sflag:s0] =	ssyncset.done @!p4 $0x0  }
0x52: {  	s2 =	simm.s32 $0x0;
	s1 =	simm.s32 @!p2 $0x3;
	[sflag:s0] =	ssyncadd.s32 @!p4 $0xFFFFFC00  }
0x53: {  	s24 =	sand.u32 $0x60, s2;
	_ =	swait.ge @!p2 [sflag:s1], $0x8C00  }
0x54: {  	s2 =	sand.u32 $0x1F80, s2;
	s3 =	sor.u32 $0x10, s24;
	[sflag:s1] =	ssyncset.done @!p2 $0x0  }
0x55: {  	s7 =	sor.u32 s2, s3;
	[sflag:s1] =	ssyncadd.s32 @!p2 $0xFFFF7400  }
0x56: {  	v0 =	vld [tilespmem:s7+$0x0];
	_ =	sdelay $0x4  }
0x57: {  	v1 =	vadd.s32 $0x1, v0  }
0x58: {  	vm0 =	vlt.s32 v1, $0x10FF  }
0x59: {  	v2 =	vshll.u32 v0, $0x3;
	v1 =	vnsel vm0, $0x10FF, v1  }
0x5a: {  	v0 =	vand.u32 $0x7F, v0;
	v2 =	vand.u32 $0xFFFFFC00, v2;
	v3 =	vshll.u32 v1, $0x3  }
0x5b: {  	v12 =	vor.u32 v0, v2;
	v0 =	vand.u32 $0x7F, v1;
	v1 =	vand.u32 $0xFFFFFC00, v3  }
0x5c: {  	v10 =	vor.u32 v0, v1;
	_ =	sdelay $0x2  }
0x5d: {  	v0 =	vld [tilespmem:s23+$0x0]  }
0x5e: {  	v1 =	vld.idx.msk [tilespmem:v12+s14+$0x0], $0xffff  }
0x5f: {  	v2 =	vld.idx.msk [tilespmem:v10+s14+$0x0], $0xffff;
	_ =	sdelay $0x1  }
0x60: {  	v17 =	vld [tilespmem:s7+$0x1180];
	_ =	sdelay $0x1  }
0x61: {  	v3 =	vand.u32 $0x7F, v0;
	v4 =	vshll.u32 v0, $0x3;
	v0 =	vadd.s32 $0x1, v0  }
0x62: {  	v4 =	vand.u32 $0xFFFFFC00, v4;
	vm7 =	vlt.s32 v0, $0x10FF;
	v2 =	vsub.f32 v2, v1  }
0x63: {  	v0 =	vnsel vm7, $0x10FF, v0;
	v19 =	vor.u32 v3, v4  }
0x64: {  	v4 =	vor.u32 $0x80, v12;
	v3 =	vshll.u32 v0, $0x3;
	v2 =	vmul.f32 v2, v17  }
0x65: {  	s8 =	sand.u32 $0xFC00, s23;
	v5 =	vor.u32 $0x80, v10;
	v0 =	vand.u32 $0x7F, v0;
	v3 =	vand.u32 $0xFFFFFC00, v3  }
0x66: {  	s7 =	sadd.s32 $0x13300, s8;
	v18 =	vor.u32 v0, v3;
	v0 =	vadd.f32 v2, v1  }
0x67: {  	s2 =	sor.u32 s3, s7  }
0x68: {  	[tilespmem:s2+$0x0] =	vst v0  }
0x69: {  	s8 =	simm.s32 $0x20;
	v2 =	vld.idx.msk [tilespmem:v4+s14+$0x0], $0xffff  }
0x6a: {  	s11 =	sand.u32 $0x60, s8;
	v3 =	vld.idx.msk [tilespmem:v5+s14+$0x0], $0xffff  }
0x6b: {  	s8 =	sand.u32 $0x1F80, s8;
	s12 =	sor.u32 $0x10, s11;
	v1 =	vld.idx.msk [tilespmem:v19+s14+$0x0], $0xffff  }
0x6c: {  	s8 =	sor.u32 s8, s12;
	v4 =	vld.idx.msk [tilespmem:v18+s14+$0x0], $0xffff  }
0x6d: {  	s10 =	simm.s32 $0x1180;
	v6 =	vld [tilespmem:s8+$0x0]  }
0x6e: {  	v0 =	vld [tilespmem:s10+$0x0]  }
0x6f: {  	v3 =	vsub.f32 v3, v2;
	_ =	sdelay $0x1  }
0x70: {  	v7 =	vor.u32 $0x100, v12;
	s10 =	simm.s32 $0x20;
	v4 =	vsub.f32 v4, v1;
	v3 =	vmul.f32 v3, v17  }
0x71: {  	v8 =	vor.u32 $0x100, v10;
	v5 =	vld [tilespmem:s10+$0x0]  }
0x72: {  	v11 =	vadd.s32 $0x1, v6;
	v4 =	vmul.f32 v4, v0;
	v2 =	vadd.f32 v3, v2  }
0x73: {  	v13 =	vshll.u32 v6, $0x3;
	vm8 =	vlt.s32 v11, $0x10FF;
	v3 =	vor.u32 $0x80, v19  }
0x74: {  	v11 =	vnsel vm8, $0x10FF, v11;
	v1 =	vadd.f32 v4, v1;
	v4 =	vor.u32 $0x80, v18;
	[tilespmem:s2+$0x80] =	vst v2  }
0x75: {  	v6 =	vand.u32 $0x7F, v6;
	v13 =	vand.u32 $0xFFFFFC00, v13;
	v14 =	vshll.u32 v11, $0x3;
	v7 =	vld.idx.msk [tilespmem:v7+s14+$0x0], $0xffff  }
0x76: {  	s0 =	sor.u32 s24, s7;
	v20 =	vor.u32 v6, v13;
	v6 =	vand.u32 $0xFFFFFC00, v14;
	v9 =	vand.u32 $0x7F, v5;
	v8 =	vld.idx.msk [tilespmem:v8+s14+$0x0], $0xffff  }
0x77: {  	v2 =	vshll.u32 v5, $0x3;
	v5 =	vadd.s32 $0x1, v5;
	[tilespmem:s0+$0x0] =	vst v1;
	v1 =	vand.u32 $0x7F, v11  }
0x78: {  	vm9 =	vlt.s32 v5, $0x10FF;
	v21 =	vor.u32 v1, v6;
	v3 =	vld.idx.msk [tilespmem:v3+s14+$0x0], $0xffff  }
0x79: {  	v2 =	vand.u32 $0xFFFFFC00, v2;
	v11 =	vnsel vm9, $0x10FF, v5;
	v6 =	vld.idx.msk [tilespmem:v4+s14+$0x0], $0xffff  }
0x7a: {  	v5 =	vor.u32 v9, v2;
	v1 =	vshll.u32 v11, $0x3  }
0x7b: {  	v2 =	vand.u32 $0x7F, v11;
	v4 =	vand.u32 $0xFFFFFC00, v1;
	v8 =	vsub.f32 v8, v7  }
0x7c: {  	v9 =	vld.idx.msk [tilespmem:v20+s14+$0x0], $0xffff;
	v4 =	vor.u32 v2, v4  }
0x7d: {  	s13 =	simm.s32 $0x11A0;
	v11 =	vld.idx.msk [tilespmem:v21+s14+$0x0], $0xffff;
	v2 =	vmul.f32 v8, v17;
	v8 =	vor.u32 $0x180, v12  }
0x7e: {  	v13 =	vor.u32 $0x180, v10;
	v1 =	vld [tilespmem:s13+$0x0];
	v6 =	vsub.f32 v6, v3  }
0x7f: {  	v7 =	vadd.f32 v2, v7;
	v2 =	vld [tilespmem:s8+$0x1180]  }
0x80: {  	v16 =	vor.u32 $0x100, v19;
	v14 =	vld.idx.msk [tilespmem:v5+s14+$0x0], $0xffff;
	v6 =	vmul.f32 v6, v0  }
0x81: {  	v15 =	vld.idx.msk [tilespmem:v4+s14+$0x0], $0xffff;
	[tilespmem:s2+$0x100] =	vst v7;
	v7 =	vor.u32 $0x100, v18  }
0x82: {  	v3 =	vadd.f32 v6, v3;
	v6 =	vsub.f32 v11, v9;
	v8 =	vld.idx.msk [tilespmem:v8+s14+$0x0], $0xffff  }
0x83: {  	v11 =	vld.idx.msk [tilespmem:v13+s14+$0x0], $0xffff  }
0x84: {  	s18 =	simm.s32 $0x100;
	[tilespmem:s0+$0x80] =	vst v3;
	v3 =	vmul.f32 v6, v2;
	v6 =	vor.u32 $0x80, v20  }
0x85: {  	s7 =	sand.u32 $0xFC00, s18;
	v13 =	vld.idx.msk [tilespmem:v16+s14+$0x0], $0xffff;
	v16 =	vor.u32 $0x80, v21  }
0x86: {  	s7 =	sadd.s32 $0x13300, s7;
	v15 =	vsub.f32 v15, v14;
	v7 =	vld.idx.msk [tilespmem:v7+s14+$0x0], $0xffff;
	v3 =	vadd.f32 v3, v9  }
0x87: {  	s19 =	simm.s32 $0x40;
	s1 =	sor.u32 s12, s7  }
0x88: {  	s20 =	simm.s32 $0x40;
	v22 =	vld [tilespmem:s19+$0x0];
	v9 =	vmul.f32 v15, v1;
	v15 =	vor.u32 $0x80, v5;
	v11 =	vsub.f32 v11, v8;
	[tilespmem:s1+$0x0] =	vst v3  }
0x89: {  	s21 =	sand.u32 $0x60, s20;
	v23 =	vor.u32 $0x80, v4;
	v6 =	vld.idx.msk [tilespmem:v6+s14+$0x0], $0xffff  }
0x8a: {  	s22 =	sor.u32 $0x10, s21;
	s8 =	sand.u32 $0x1F80, s20;
	v3 =	vadd.f32 v9, v14;
	v9 =	vmul.f32 v11, v17;
	v11 =	vor.u32 $0x200, v12;
	v14 =	vld.idx.msk [tilespmem:v16+s14+$0x0], $0xffff  }
0x8b: {  	s28 =	sor.u32 s11, s7;
	s8 =	sor.u32 s8, s22;
	v16 =	vor.u32 $0x200, v10;
	v7 =	vsub.f32 v7, v13  }
0x8c: {  	v24 =	vld [tilespmem:s8+$0x0];
	[tilespmem:s28+$0x0] =	vst v3;
	v3 =	vadd.f32 v9, v8  }
0x8d: {  	v15 =	vld.idx.msk [tilespmem:v15+s14+$0x0], $0xffff;
	v7 =	vmul.f32 v7, v0  }
0x8e: {  	v25 =	vor.u32 $0x100, v20;
	v27 =	vor.u32 $0x100, v21;
	v8 =	vld.idx.msk [tilespmem:v23+s14+$0x0], $0xffff;
	[tilespmem:s2+$0x180] =	vst v3  }
0x8f: {  	v23 =	vld.idx.msk [tilespmem:v11+s14+$0x0], $0xffff;
	v11 =	vadd.f32 v7, v13;
	v7 =	vadd.s32 $0x1, v22;
	v13 =	vsub.f32 v14, v6  }
0x90: {  	v9 =	vor.u32 $0x180, v19;
	v3 =	vand.u32 $0x7F, v22;
	v14 =	vld.idx.msk [tilespmem:v16+s14+$0x0], $0xffff;
	vm10 =	vlt.s32 v7, $0x10FF  }
0x91: {  	v22 =	vshll.u32 v22, $0x3;
	v7 =	vnsel vm10, $0x10FF, v7;
	v13 =	vmul.f32 v13, v2  }
0x92: {  	v16 =	vor.u32 $0x180, v18;
	v22 =	vand.u32 $0xFFFFFC00, v22;
	v26 =	vshll.u32 v7, $0x3  }
0x93: {  	v7 =	vand.u32 $0x7F, v7;
	v26 =	vand.u32 $0xFFFFFC00, v26;
	v6 =	vadd.f32 v13, v6  }
0x94: {  	[tilespmem:s0+$0x100] =	vst v11;
	v13 =	vsub.f32 v8, v15;
	v8 =	vor.u32 v3, v22;
	v22 =	vadd.s32 $0x1, v24  }
0x95: {  	v28 =	vld.idx.msk [tilespmem:v9+s14+$0x0], $0xffff;
	v7 =	vor.u32 v7, v26;
	v26 =	vshll.u32 v24, $0x3;
	[tilespmem:s1+$0x80] =	vst v6;
	v6 =	vsub.f32 v14, v23  }
0x96: {  	vm11 =	vlt.s32 v22, $0x10FF;
	v14 =	vand.u32 $0x7F, v24;
	v24 =	vand.u32 $0xFFFFFC00, v26;
	v25 =	vld.idx.msk [tilespmem:v25+s14+$0x0], $0xffff  }
0x97: {  	s24 =	simm.s32 $0x11C0;
	v22 =	vnsel vm11, $0x10FF, v22;
	v26 =	vld.idx.msk [tilespmem:v27+s14+$0x0], $0xffff;
	v27 =	vor.u32 $0x280, v12;
	v6 =	vmul.f32 v6, v17  }
0x98: {  	v3 =	vld [tilespmem:s24+$0x0];
	v11 =	vor.u32 v14, v24;
	v9 =	vshll.u32 v22, $0x3;
	v14 =	vor.u32 $0x280, v10  }
0x99: {  	v16 =	vld.idx.msk [tilespmem:v16+s14+$0x0], $0xffff;
	v22 =	vand.u32 $0x7F, v22;
	v9 =	vand.u32 $0xFFFFFC00, v9;
	v6 =	vadd.f32 v6, v23  }
0x9a: {  	v9 =	vor.u32 v22, v9;
	v23 =	vld.idx.msk [tilespmem:v8+s14+$0x0], $0xffff  }
0x9b: {  	v13 =	vmul.f32 v13, v1;
	v24 =	vor.u32 $0x100, v5;
	v22 =	vld.idx.msk [tilespmem:v7+s14+$0x0], $0xffff;
	[tilespmem:s2+$0x200] =	vst v6  }
0x9c: {  	v6 =	vsub.f32 v26, v25;
	v27 =	vld.idx.msk [tilespmem:v27+s14+$0x0], $0xffff  }
0x9d: {  	v13 =	vadd.f32 v13, v15;
	v15 =	vor.u32 $0x100, v4;
	v14 =	vld.idx.msk [tilespmem:v14+s14+$0x0], $0xffff  }
0x9e: {  	v29 =	vor.u32 $0x180, v20;
	v26 =	vld.idx.msk [tilespmem:v11+s14+$0x0], $0xffff;
	v6 =	vmul.f32 v6, v2  }
0x9f: {  	v30 =	vor.u32 $0x180, v21;
	v16 =	vsub.f32 v16, v28;
	[tilespmem:s28+$0x80] =	vst v13;
	v13 =	vld.idx.msk [tilespmem:v9+s14+$0x0], $0xffff  }
0xa0: {  	v24 =	vld.idx.msk [tilespmem:v24+s14+$0x0], $0xffff;
	v25 =	vadd.f32 v6, v25  }
0xa1: {  	v16 =	vmul.f32 v16, v0;
	v6 =	vld [tilespmem:s8+$0x1180]  }
0xa2: {  	s29 =	simm.s32 $0x200;
	v31 =	vor.u32 $0x200, v19;
	v15 =	vld.idx.msk [tilespmem:v15+s14+$0x0], $0xffff;
	[tilespmem:s1+$0x100] =	vst v25;
	v14 =	vsub.f32 v14, v27  }
0xa3: {  	s11 =	sand.u32 $0xFC00, s29;
	v16 =	vadd.f32 v16, v28;
	v25 =	vor.u32 $0x200, v18;
	v28 =	vld.idx.msk [tilespmem:v29+s14+$0x0], $0xffff  }
0xa4: {  	s10 =	simm.s32 $0x60;
	s8 =	sadd.s32 $0x13300, s11;
	v13 =	vsub.f32 v13, v26;
	v29 =	vld.idx.msk [tilespmem:v30+s14+$0x0], $0xffff;
	v30 =	vor.u32 $0x300, v12;
	v14 =	vmul.f32 v14, v17  }
0xa5: {  	v32 =	vor.u32 $0x300, v10;
	v33 =	vld [tilespmem:s10+$0x0];
	v22 =	vsub.f32 v22, v23;
	s30 =	sor.u32 s21, s8;
	s21 =	simm.s32 $0x80  }
0xa6: {  	[tilespmem:s0+$0x180] =	vst v16;
	v16 =	vor.u32 $0x80, v11;
	v56 =	vld [tilespmem:s21+$0x0];
	v13 =	vmul.f32 v13, v6;
	v14 =	vadd.f32 v14, v27  }
0xa7: {  	v22 =	vmul.f32 v22, v3;
	v27 =	vld.idx.msk [tilespmem:v31+s14+$0x0], $0xffff;
	v31 =	vor.u32 $0x80, v9  }
0xa8: {  	v34 =	vor.u32 $0x80, v8;
	v15 =	vsub.f32 v15, v24;
	v25 =	vld.idx.msk [tilespmem:v25+s14+$0x0], $0xffff;
	v13 =	vadd.f32 v13, v26;
	[tilespmem:s2+$0x280] =	vst v14  }
0xa9: {  	s31 =	sor.u32 s22, s8;
	v22 =	vadd.f32 v22, v23;
	v14 =	vor.u32 $0x80, v7;
	v26 =	vld.idx.msk [tilespmem:v30+s14+$0x0], $0xffff  }
0xaa: {  	v15 =	vmul.f32 v15, v1;
	v29 =	vsub.f32 v29, v28;
	[tilespmem:s31+$0x0] =	vst v13;
	v13 =	vor.u32 $0x180, v5;
	v23 =	vld.idx.msk [tilespmem:v32+s14+$0x0], $0xffff  }
0xab: {  	v55 =	vor.u32 $0x280, v20;
	v53 =	vshll.u32 v33, $0x3;
	v16 =	vld.idx.msk [tilespmem:v16+s14+$0x0], $0xffff  }
0xac: {  	s12 =	simm.s32 $0x60;
	[tilespmem:s30+$0x0] =	vst v22;
	v15 =	vadd.f32 v15, v24;
	v30 =	vor.u32 $0x200, v20;
	v29 =	vmul.f32 v29, v2;
	v22 =	vld.idx.msk [tilespmem:v31+s14+$0x0], $0xffff  }
0xad: {  	s7 =	sand.u32 $0x60, s12;
	v52 =	vor.u32 $0x180, v4;
	v24 =	vor.u32 $0x200, v21;
	v31 =	vld.idx.msk [tilespmem:v34+s14+$0x0], $0xffff;
	v25 =	vsub.f32 v25, v27  }
0xae: {  	s13 =	sor.u32 $0x10, s7;
	v57 =	vor.u32 $0x100, v8;
	v36 =	vor.u32 $0x100, v11;
	[tilespmem:s28+$0x100] =	vst v15;
	s2 =	sand.u32 $0x1F80, s12;
	v28 =	vadd.f32 v29, v28;
	v14 =	vld.idx.msk [tilespmem:v14+s14+$0x0], $0xffff  }
0xaf: {  	s19 =	sor.u32 s2, s13;
	v15 =	vmul.f32 v25, v0;
	v25 =	vadd.s32 $0x1, v33;
	v54 =	vld.idx.msk [tilespmem:v13+s14+$0x0], $0xffff;
	v13 =	vor.u32 $0x280, v19  }
0xb0: {  	v35 =	vld [tilespmem:s19+$0x0];
	[tilespmem:s1+$0x180] =	vst v28;
	v28 =	vor.u32 $0x280, v18;
	v23 =	vsub.f32 v23, v26;
	vm12 =	vlt.s32 v25, $0x10FF  }
0xb1: {  	s18 =	sand.u32 $0x3, s23;
	v34 =	vand.u32 $0xFFFFFC00, v53;
	v30 =	vld.idx.msk [tilespmem:v30+s14+$0x0], $0xffff;
	v15 =	vadd.f32 v15, v27;
	v25 =	vnsel vm12, $0x10FF, v25  }
0xb2: {  	s20 =	sshll.u32 s18, $0x5;
	v24 =	vld.idx.msk [tilespmem:v24+s14+$0x0], $0xffff;
	v22 =	vsub.f32 v22, v16;
	v23 =	vmul.f32 v23, v17;
	v27 =	vor.u32 $0x380, v12  }
0xb3: {  	v32 =	vld.idx.msk [tilespmem:v52+s14+$0x0], $0xffff;
	s2 =	sadd.s32 $0x0, s20;
	v12 =	vand.u32 $0x7F, v25;
	[tilespmem:s0+$0x200] =	vst v15;
	v15 =	vshll.u32 v25, $0x3;
	v25 =	vor.u32 $0x380, v10  }
0xb4: {  	s3 =	sadd.s32 $0x10, s2;
	v22 =	vmul.f32 v22, v6;
	v14 =	vsub.f32 v14, v31;
	v37 =	vld.idx.msk [tilespmem:v13+s14+$0x0], $0xffff;
	v13 =	vadd.f32 v23, v26  }
0xb5: {  	s11 =	simm.s32 $0x11E0;
	s12 =	sor.u32 $0x300, s3;
	v29 =	vand.u32 $0x7F, v33;
	v15 =	vand.u32 $0xFFFFFC00, v15;
	v23 =	vor.u32 $0x100, v9;
	v26 =	vld.idx.msk [tilespmem:v28+s14+$0x0], $0xffff  }
0xb6: {  	v10 =	vld [tilespmem:s11+$0x0];
	v16 =	vadd.f32 v22, v16;
	v12 =	vor.u32 v12, v15;
	v14 =	vmul.f32 v14, v3;
	[tilespmem:s12+$0x13300] =	vst v13  }
0xb7: {  	v15 =	vadd.s32 $0x1, v35;
	v24 =	vsub.f32 v24, v30;
	v13 =	vor.u32 v29, v34;
	v22 =	vld.idx.msk [tilespmem:v27+s14+$0x0], $0xffff  }
0xb8: {  	vm13 =	vlt.s32 v15, $0x10FF;
	v27 =	vshll.u32 v35, $0x3;
	[tilespmem:s31+$0x80] =	vst v16;
	v14 =	vadd.f32 v14, v31;
	v25 =	vld.idx.msk [tilespmem:v25+s14+$0x0], $0xffff  }
0xb9: {  	v16 =	vand.u32 $0x7F, v35;
	v24 =	vmul.f32 v24, v2;
	v27 =	vand.u32 $0xFFFFFC00, v27;
	v28 =	vld.idx.msk [tilespmem:v36+s14+$0x0], $0xffff  }
0xba: {  	v29 =	vnsel vm13, $0x10FF, v15;
	v23 =	vld.idx.msk [tilespmem:v23+s14+$0x0], $0xffff;
	v15 =	vor.u32 v16, v27;
	v27 =	vor.u32 $0x280, v21;
	[tilespmem:s30+$0x80] =	vst v14  }
0xbb: {  	v58 =	vor.u32 $0x100, v7;
	v16 =	vshll.u32 v29, $0x3;
	v24 =	vadd.f32 v24, v30;
	v59 =	vld.idx.msk [tilespmem:v57+s14+$0x0], $0xffff  }
0xbc: {  	v29 =	vand.u32 $0x7F, v29;
	v26 =	vsub.f32 v26, v37;
	v16 =	vand.u32 $0xFFFFFC00, v16;
	v30 =	vld.idx.msk [tilespmem:v13+s14+$0x0], $0xffff  }
0xbd: {  	v16 =	vor.u32 v29, v16;
	v29 =	vld.idx.msk [tilespmem:v12+s14+$0x0], $0xffff;
	[tilespmem:s1+$0x200] =	vst v24  }
0xbe: {  	v61 =	vor.u32 $0x300, v18;
	v24 =	vsub.f32 v32, v54;
	v26 =	vmul.f32 v26, v0;
	v34 =	vld.idx.msk [tilespmem:v55+s14+$0x0], $0xffff  }
0xbf: {  	v40 =	vor.u32 $0x200, v4;
	v27 =	vld.idx.msk [tilespmem:v27+s14+$0x0], $0xffff  }
0xc0: {  	v32 =	vld.idx.msk [tilespmem:v58+s14+$0x0], $0xffff;
	v24 =	vmul.f32 v24, v1;
	v26 =	vadd.f32 v26, v37;
	v23 =	vsub.f32 v23, v28  }
0xc1: {  	v38 =	vor.u32 $0x200, v5;
	v31 =	vld.idx.msk [tilespmem:v15+s14+$0x0], $0xffff  }
0xc2: {  	v24 =	vadd.f32 v24, v54;
	[tilespmem:s0+$0x280] =	vst v26;
	v39 =	vld.idx.msk [tilespmem:v16+s14+$0x0], $0xffff;
	v14 =	vmul.f32 v23, v6;
	v23 =	vor.u32 $0x180, v11  }
0xc3: {  	v60 =	vor.u32 $0x180, v9;
	v25 =	vsub.f32 v25, v22;
	v45 =	vld.idx.msk [tilespmem:v61+s14+$0x0], $0xffff  }
0xc4: {  	[tilespmem:s28+$0x180] =	vst v24;
	v28 =	vadd.f32 v14, v28;
	v14 =	vld [tilespmem:s19+$0x1180];
	v27 =	vsub.f32 v27, v34  }
0xc5: {  	v17 =	vmul.f32 v25, v17;
	v24 =	vor.u32 $0x300, v19;
	v26 =	vld.idx.msk [tilespmem:v40+s14+$0x0], $0xffff  }
0xc6: {  	v63 =	vor.u32 $0x300, v20;
	v25 =	vsub.f32 v29, v30;
	[tilespmem:s31+$0x100] =	vst v28;
	v28 =	vld.idx.msk [tilespmem:v38+s14+$0x0], $0xffff;
	v27 =	vmul.f32 v27, v2  }
0xc7: {  	v29 =	vor.u32 $0x300, v21;
	v23 =	vld.idx.msk [tilespmem:v23+s14+$0x0], $0xffff;
	v62 =	vsub.f32 v39, v31  }
0xc8: {  	s20 =	simm.s32 $0x300;
	s12 =	simm.s32 $0x1200;
	v41 =	vadd.f32 v17, v22;
	v22 =	vmul.f32 v25, v10;
	v36 =	vld.idx.msk [tilespmem:v60+s14+$0x0], $0xffff;
	v27 =	vadd.f32 v27, v34  }
0xc9: {  	s21 =	simm.s32 $0x80;
	s22 =	sand.u32 $0xFC00, s20;
	v44 =	vor.u32 $0x80, v15;
	v32 =	vsub.f32 v32, v59;
	v17 =	vld [tilespmem:s12+$0x0];
	v37 =	vmul.f32 v62, v14  }
0xca: {  	v50 =	vor.u32 $0x180, v7;
	s24 =	sadd.s32 $0x13300, s22;
	v25 =	vor.u32 $0x80, v16;
	s19 =	sand.u32 $0x60, s21;
	v22 =	vadd.f32 v22, v30;
	v24 =	vld.idx.msk [tilespmem:v24+s14+$0x0], $0xffff;
	[tilespmem:s1+$0x280] =	vst v27  }
0xcb: {  	s11 =	sand.u32 $0x1F80, s21;
	v46 =	vor.u32 $0x80, v13;
	v32 =	vmul.f32 v32, v3;
	s18 =	sor.u32 $0x10, s19;
	v31 =	vadd.f32 v37, v31;
	s1 =	sor.u32 s7, s24;
	v47 =	vld.idx.msk [tilespmem:v63+s14+$0x0], $0xffff  }
0xcc: {  	v51 =	vor.u32 $0x200, v11;
	s0 =	sor.u32 s13, s24;
	v27 =	vor.u32 $0x80, v12;
	v26 =	vsub.f32 v26, v28;
	s24 =	sor.u32 s11, s18;
	v29 =	vld.idx.msk [tilespmem:v29+s14+$0x0], $0xffff;
	[tilespmem:s1+$0x0] =	vst v22  }
0xcd: {  	v30 =	vsub.f32 v36, v23;
	v22 =	vadd.f32 v32, v59;
	v59 =	vld [tilespmem:s24+$0x0];
	[tilespmem:s0+$0x0] =	vst v31;
	v31 =	vor.u32 $0x180, v8  }
0xce: {  	v48 =	vand.u32 $0x7F, v56;
	v52 =	vor.u32 $0x200, v9;
	v20 =	vor.u32 $0x380, v20;
	v49 =	vld.idx.msk [tilespmem:v44+s14+$0x0], $0xffff  }
0xcf: {  	v35 =	vadd.s32 $0x1, v56;
	v26 =	vmul.f32 v26, v1;
	v42 =	vmul.f32 v30, v6;
	v25 =	vld.idx.msk [tilespmem:v25+s14+$0x0], $0xffff  }
0xd0: {  	vm14 =	vlt.s32 v35, $0x10FF;
	v55 =	vor.u32 $0x280, v4;
	v34 =	vsub.f32 v45, v24;
	v30 =	vld.idx.msk [tilespmem:v46+s14+$0x0], $0xffff  }
0xd1: {  	[tilespmem:s30+$0x100] =	vst v22;
	v26 =	vadd.f32 v26, v28;
	v28 =	vor.u32 $0x280, v5;
	v23 =	vadd.f32 v42, v23;
	v53 =	vld.idx.msk [tilespmem:v27+s14+$0x0], $0xffff  }
0xd2: {  	s13 =	simm.s32 $0x1;
	v22 =	vshll.u32 v56, $0x3;
	v56 =	vsub.f32 v29, v47;
	v27 =	vld.idx.msk [tilespmem:v31+s14+$0x0], $0xffff;
	v31 =	vmul.f32 v34, v0  }
0xd3: {  	v33 =	vor.u32 $0x280, v11;
	v54 =	vnsel vm14, $0x10FF, v35;
	s22 =	sand.u32 $0x3, s13;
	v19 =	vor.u32 $0x380, v19;
	[tilespmem:s31+$0x180] =	vst v23;
	v23 =	vld.idx.msk [tilespmem:v50+s14+$0x0], $0xffff  }
0xd4: {  	s8 =	sshll.u32 s22, $0x5;
	v29 =	vld.idx.msk [tilespmem:v51+s14+$0x0], $0xffff;
	v25 =	vsub.f32 v25, v49;
	v24 =	vadd.f32 v31, v24;
	v31 =	vmul.f32 v56, v2  }
0xd5: {  	v43 =	vor.u32 $0x100, v15;
	v58 =	vand.u32 $0x7F, v54;
	v60 =	vor.u32 $0x380, v21;
	s7 =	sadd.s32 $0x100, s8;
	[tilespmem:s28+$0x200] =	vst v26;
	v57 =	vld.idx.msk [tilespmem:v52+s14+$0x0], $0xffff  }
0xd6: {  	s10 =	sor.u32 $0x300, s2;
	v61 =	vor.u32 $0x100, v16;
	s11 =	sadd.s32 $0x10, s7;
	v26 =	vld.idx.msk [tilespmem:v28+s14+$0x0], $0xffff;
	v21 =	vmul.f32 v25, v14;
	v25 =	vadd.f32 v31, v47  }
0xd7: {  	s22 =	sor.u32 $0x300, s11;
	v22 =	vand.u32 $0xFFFFFC00, v22;
	v63 =	vand.u32 $0x7F, v59;
	v34 =	vshll.u32 v54, $0x3;
	[tilespmem:s10+$0x13300] =	vst v24;
	v31 =	vld.idx.msk [tilespmem:v55+s14+$0x0], $0xffff  }
0xd8: {  	v28 =	vsub.f32 v53, v30;
	v62 =	vadd.f32 v21, v49;
	v21 =	vld.idx.msk [tilespmem:v19+s14+$0x0], $0xffff;
	v19 =	vor.u32 $0x380, v18;
	[tilespmem:s22+$0x13300] =	vst v25  }
0xd9: {  	v24 =	vand.u32 $0xFFFFFC00, v34;
	v34 =	vsub.f32 v23, v27;
	v18 =	vor.u32 v48, v22;
	v22 =	vld.idx.msk [tilespmem:v20+s14+$0x0], $0xffff  }
0xda: {  	v37 =	vmul.f32 v28, v10;
	v28 =	vsub.f32 v57, v29;
	v20 =	vadd.s32 $0x1, v59;
	[tilespmem:s0+$0x80] =	vst v62;
	v23 =	vld.idx.msk [tilespmem:v60+s14+$0x0], $0xffff  }
0xdb: {  	s3 =	sor.u32 $0x380, s3;
	v39 =	vor.u32 v58, v24;
	v24 =	vshll.u32 v59, $0x3;
	vm15 =	vlt.s32 v20, $0x10FF;
	v36 =	vld.idx.msk [tilespmem:v43+s14+$0x0], $0xffff  }
0xdc: {  	s2 =	sor.u32 $0x380, s2;
	[tilespmem:s3+$0x13300] =	vst v41;
	s3 =	simm.s32 $0xA0;
	v24 =	vand.u32 $0xFFFFFC00, v24;
	v38 =	vld.idx.msk [tilespmem:v61+s14+$0x0], $0xffff;
	v35 =	vmul.f32 v28, v6;
	v25 =	vnsel vm15, $0x10FF, v20  }
0xdd: {  	s8 =	sor.u32 $0x300, s7;
	v32 =	vor.u32 $0x280, v9;
	s10 =	sor.u32 $0x380, s7;
	s7 =	simm.s32 $0x300;
	v20 =	vor.u32 v63, v24;
	v28 =	vshll.u32 v25, $0x3;
	v24 =	vld.idx.msk [tilespmem:v19+s14+$0x0], $0xffff;
	v19 =	vmovc v39  }
.LBB2_5:
0xde: {  	v40 =	vld [tilespmem:s3+$0x0];
	v25 =	vand.u32 $0x7F, v25;
	v28 =	vand.u32 $0xFFFFFC00, v28;
	v29 =	vadd.f32 v35, v29  }
0xdf: {  	v35 =	vld.idx.msk [tilespmem:v18+s14+$0x0], $0xffff;
	v25 =	vor.u32 v25, v28;
	v28 =	vadd.f32 v37, v30;
	v30 =	vmul.f32 v34, v3  }
0xe0: {  	v37 =	vor.u32 $0x100, v13;
	v23 =	vsub.f32 v23, v22;
	v34 =	vld.idx.msk [tilespmem:v39+s14+$0x0], $0xffff;
	[tilespmem:s31+$0x200] =	vst v29;
	v29 =	vsub.f32 v31, v26  }
0xe1: {  	[tilespmem:s1+$0x80] =	vst v28;
	v28 =	vor.u32 $0x100, v12;
	v27 =	vadd.f32 v30, v27;
	v30 =	vld.idx.msk [tilespmem:v33+s14+$0x0], $0xffff  }
0xe2: {  	v31 =	vsub.f32 v38, v36;
	v23 =	vmul.f32 v23, v2;
	v32 =	vld.idx.msk [tilespmem:v32+s14+$0x0], $0xffff;
	v29 =	vmul.f32 v29, v1  }
0xe3: {  	v2 =	vmovc v6;
	v6 =	vmov v14;
	v24 =	vsub.f32 v24, v21;
	v33 =	vld.idx.msk [tilespmem:v20+s14+$0x0], $0xffff;
	[tilespmem:s30+$0x180] =	vst v27;
	v27 =	vor.u32 $0x200, v8  }
0xe4: {  	v14 =	vmul.f32 v31, v6;
	v31 =	vor.u32 $0x180, v15;
	v22 =	vadd.f32 v23, v22;
	v38 =	vld.idx.msk [tilespmem:v25+s14+$0x0], $0xffff  }
0xe5: {  	s11 =	sor.u32 $0x380, s11;
	v26 =	vadd.f32 v29, v26;
	v24 =	vmul.f32 v24, v0;
	v0 =	vmovc v1;
	v23 =	vld.idx.msk [tilespmem:v37+s14+$0x0], $0xffff;
	v37 =	vor.u32 $0x180, v16  }
0xe6: {  	v1 =	vmovc v3;
	v3 =	vmov v10;
	v29 =	vadd.f32 v14, v36;
	v36 =	vor.u32 $0x200, v7;
	v28 =	vld.idx.msk [tilespmem:v28+s14+$0x0], $0xffff;
	[tilespmem:s11+$0x13300] =	vst v22  }
0xe7: {  	v10 =	vmov v17;
	v22 =	vor.u32 $0x300, v5;
	v21 =	vadd.f32 v24, v21;
	v14 =	vld [tilespmem:s24+$0x1180];
	[tilespmem:s28+$0x280] =	vst v26;
	s28 =	smov.u32 s30;
	s30 =	smov.u32 s1  }
0xe8: {  	v17 =	vsub.f32 v32, v30;
	v26 =	vor.u32 $0x300, v4;
	[tilespmem:s0+$0x100] =	vst v29;
	v24 =	vld.idx.msk [tilespmem:v27+s14+$0x0], $0xffff  }
0xe9: {  	v27 =	vld.idx.msk [tilespmem:v31+s14+$0x0], $0xffff;
	[tilespmem:s2+$0x13300] =	vst v21;
	s2 =	smov.u32 s10  }
0xea: {  	v21 =	vsub.f32 v38, v33;
	v17 =	vmul.f32 v17, v2;
	v31 =	vor.u32 $0x300, v11;
	v29 =	vld.idx.msk [tilespmem:v37+s14+$0x0], $0xffff  }
0xeb: {  	v32 =	vsub.f32 v34, v35;
	v34 =	vld.idx.msk [tilespmem:v36+s14+$0x0], $0xffff;
	v36 =	vor.u32 $0x300, v9  }
0xec: {  	s20 =	sadd.s32 $0x100, s20;
	v37 =	vor.u32 $0x80, v20;
	v30 =	vadd.f32 v17, v30;
	v21 =	vmul.f32 v21, v14;
	v22 =	vld.idx.msk [tilespmem:v22+s14+$0x0], $0xffff  }
0xed: {  	s12 =	sadd.s32 $0x20, s12;
	s1 =	sand.u32 $0xFC00, s20;
	v32 =	vmul.f32 v32, v10;
	v38 =	vor.u32 $0x80, v25;
	v28 =	vsub.f32 v28, v23;
	v26 =	vld.idx.msk [tilespmem:v26+s14+$0x0], $0xffff  }
0xee: {  	v39 =	vor.u32 $0x80, v18;
	s10 =	sadd.s32 $0x13300, s1;
	v17 =	vld [tilespmem:s12+$0x0];
	v21 =	vadd.f32 v21, v33;
	[tilespmem:s31+$0x280] =	vst v30;
	s31 =	smov.u32 s0  }
0xef: {  	s1 =	sor.u32 s19, s10;
	v28 =	vmul.f32 v28, v3;
	v30 =	vadd.f32 v32, v35;
	v32 =	vor.u32 $0x80, v19;
	s0 =	sor.u32 s18, s10;
	v31 =	vld.idx.msk [tilespmem:v31+s14+$0x0], $0xffff  }
0xf0: {  	v33 =	vand.u32 $0x7F, v40;
	v29 =	vsub.f32 v29, v27;
	[tilespmem:s0+$0x0] =	vst v21;
	v21 =	vor.u32 $0x180, v13;
	v35 =	vld.idx.msk [tilespmem:v36+s14+$0x0], $0xffff  }
0xf1: {  	v23 =	vadd.f32 v28, v23;
	v28 =	vor.u32 $0x180, v12;
	v34 =	vsub.f32 v34, v24;
	[tilespmem:s1+$0x0] =	vst v30;
	v36 =	vld.idx.msk [tilespmem:v37+s14+$0x0], $0xffff  }
0xf2: {  	v41 =	vor.u32 $0x200, v15;
	v37 =	vshll.u32 v40, $0x3;
	v29 =	vmul.f32 v29, v6;
	v38 =	vld.idx.msk [tilespmem:v38+s14+$0x0], $0xffff  }
0xf3: {  	v34 =	vmul.f32 v34, v1;
	v26 =	vsub.f32 v26, v22;
	v30 =	vld.idx.msk [tilespmem:v39+s14+$0x0], $0xffff;
	[tilespmem:s30+$0x100] =	vst v23;
	v23 =	vor.u32 $0x200, v16  }
0xf4: {  	v37 =	vand.u32 $0xFFFFFC00, v37;
	v39 =	vadd.s32 $0x1, v40;
	v29 =	vadd.f32 v29, v27;
	v32 =	vld.idx.msk [tilespmem:v32+s14+$0x0], $0xffff  }
0xf5: {  	s21 =	sadd.s32 $0x20, s21;
	v26 =	vmul.f32 v26, v0;
	v27 =	vld.idx.msk [tilespmem:v21+s14+$0x0], $0xffff;
	v21 =	vadd.f32 v34, v24;
	v24 =	vor.u32 $0x280, v8  }
0xf6: {  	s13 =	sadd.s32 $0x1, s13;
	p2 =	slt.u32 s21, $0x1160;
	s19 =	sand.u32 $0x60, s21;
	vm0 =	vlt.s32 v39, $0x10FF;
	v34 =	vor.u32 $0x280, v7;
	v35 =	vsub.f32 v35, v31;
	v28 =	vld.idx.msk [tilespmem:v28+s14+$0x0], $0xffff;
	[tilespmem:s31+$0x180] =	vst v29  }
0xf7: {  	s11 =	sand.u32 $0x3, s13;
	s18 =	sor.u32 $0x10, s19;
	s10 =	sand.u32 $0x1F80, s21;
	v39 =	vnsel vm0, $0x10FF, v39;
	v29 =	vld.idx.msk [tilespmem:v41+s14+$0x0], $0xffff;
	[tilespmem:s28+$0x200] =	vst v21;
	v21 =	vadd.f32 v26, v22;
	v22 =	vor.u32 $0x380, v5;
	v5 =	vmovc v8  }
0xf8: {  	s24 =	sor.u32 s10, s18;
	s10 =	sshll.u32 s11, $0x5;
	v26 =	vsub.f32 v38, v36;
	v35 =	vmul.f32 v35, v2;
	v38 =	vor.u32 $0x380, v11;
	v8 =	vmovc v13;
	v23 =	vld.idx.msk [tilespmem:v23+s14+$0x0], $0xffff  }
0xf9: {  	v42 =	vor.u32 $0x380, v9;
	v9 =	vmovc v16;
	s11 =	sadd.s32 s10, s29;
	s29 =	smov.u32 s7;
	s7 =	smov.u32 s20;
	v16 =	vmovc v25;
	v40 =	vand.u32 $0x7F, v39;
	v39 =	vshll.u32 v39, $0x3;
	v41 =	vld [tilespmem:s24+$0x0];
	[tilespmem:s8+$0x13300] =	vst v21  }
0xfa: {  	s10 =	sor.u32 $0x380, s11;
	v25 =	vor.u32 $0x100, v20;
	v13 =	vmovc v18;
	v21 =	vmul.f32 v26, v14;
	s8 =	sor.u32 $0x300, s11;
	s11 =	sadd.s32 $0x10, s11;
	v26 =	vld.idx.msk [tilespmem:v24+s14+$0x0], $0xffff;
	v24 =	vadd.f32 v35, v31  }
0xfb: {  	v43 =	vor.u32 $0x100, v16;
	v11 =	vmovc v15;
	v15 =	vmovc v20;
	v32 =	vsub.f32 v32, v30;
	v35 =	vand.u32 $0xFFFFFC00, v39;
	s22 =	sor.u32 $0x300, s11;
	v31 =	vld.idx.msk [tilespmem:v34+s14+$0x0], $0xffff  }
0xfc: {  	v20 =	vadd.f32 v21, v36;
	v34 =	vsub.f32 v28, v27;
	[tilespmem:s22+$0x13300] =	vst v24;
	v21 =	vld.idx.msk [tilespmem:v22+s14+$0x0], $0xffff;
	v24 =	vor.u32 $0x380, v4  }
.Ltmp5:
0xfd: {  	v18 =	vor.u32 v33, v37;
	v39 =	vor.u32 v40, v35;
	v37 =	vmul.f32 v32, v10;
	v22 =	vld.idx.msk [tilespmem:v38+s14+$0x0], $0xffff;
	(pc) =	sbr.rel @p2 .LBB2_5-.Ltmp5, $4  }
0xfe: {  	v4 =	vmovc v7;
	v28 =	vadd.s32 $0x1, v41;
	v32 =	vshll.u32 v41, $0x3;
	[tilespmem:s0+$0x80] =	vst v20;
	v20 =	vsub.f32 v23, v29;
	v23 =	vld.idx.msk [tilespmem:v42+s14+$0x0], $0xffff  }
0xff: {  	v7 =	vmovc v12;
	v12 =	vmovc v19;
	v40 =	vand.u32 $0x7F, v41;
	vm0 =	vlt.s32 v28, $0x10FF;
	v32 =	vand.u32 $0xFFFFFC00, v32;
	v36 =	vld.idx.msk [tilespmem:v25+s14+$0x0], $0xffff  }
0x100: {  	v33 =	vor.u32 $0x280, v11;
	v19 =	vmovc v39;
	v25 =	vnsel vm0, $0x10FF, v28;
	v38 =	vld.idx.msk [tilespmem:v43+s14+$0x0], $0xffff;
	v35 =	vmul.f32 v20, v6  }
0x101: {  	s3 =	sadd.s32 $0x20, s3;
	v20 =	vor.u32 v40, v32;
	v32 =	vor.u32 $0x280, v9;
	v28 =	vshll.u32 v25, $0x3;
	v24 =	vld.idx.msk [tilespmem:v24+s14+$0x0], $0xffff  }
0x102: {  	v25 =	vand.u32 $0x7F, v25;
	v28 =	vand.u32 $0xFFFFFC00, v28  }
0x103: {  	v28 =	vor.u32 v25, v28;
	_ =	sdelay $0x3  }
0x104: {  	v40 =	vld.idx.msk [tilespmem:v20+s14+$0x0], $0xffff  }
0x105: {  	v41 =	vld.idx.msk [tilespmem:v28+s14+$0x0], $0xffff  }
0x106: {  	v42 =	vld.idx.msk [tilespmem:v18+s14+$0x0], $0xffff  }
0x107: {  	v25 =	vld [tilespmem:s24+$0x1180]  }
0x108: {  	v39 =	vld.idx.msk [tilespmem:v39+s14+$0x0], $0xffff;
	_ =	sdelay $0x1  }
0x109: {  	v41 =	vsub.f32 v41, v40;
	_ =	sdelay $0x1  }
0x10a: {  	v43 =	vor.u32 $0x80, v20;
	s12 =	sadd.s32 $0x100, s20;
	v41 =	vmul.f32 v41, v25  }
0x10b: {  	s3 =	sand.u32 $0xFC00, s12;
	v44 =	vor.u32 $0x80, v28;
	v39 =	vsub.f32 v39, v42  }
0x10c: {  	s3 =	sadd.s32 $0x13300, s3;
	v40 =	vadd.f32 v41, v40  }
0x10d: {  	v58 =	vor.u32 $0x80, v18;
	s18 =	sor.u32 s18, s3;
	v39 =	vmul.f32 v39, v17  }
0x10e: {  	v45 =	vor.u32 $0x80, v19;
	[tilespmem:s18+$0x0] =	vst v40  }
0x10f: {  	v39 =	vadd.f32 v39, v42;
	v40 =	vld.idx.msk [tilespmem:v43+s14+$0x0], $0xffff  }
0x110: {  	s3 =	sor.u32 s19, s3;
	v59 =	vld.idx.msk [tilespmem:v44+s14+$0x0], $0xffff  }
0x111: {  	[tilespmem:s3+$0x0] =	vst v39  }
0x112: {  	v39 =	vld.idx.msk [tilespmem:v58+s14+$0x0], $0xffff  }
0x113: {  	v60 =	vld.idx.msk [tilespmem:v45+s14+$0x0], $0xffff;
	_ =	sdelay $0x1  }
0x114: {  	v61 =	vor.u32 $0x100, v13;
	v42 =	vsub.f32 v59, v40  }
0x115: {  	v62 =	vor.u32 $0x100, v12  }
0x116: {  	v30 =	vadd.f32 v37, v30;
	v48 =	vor.u32 $0x100, v20;
	v63 =	vmul.f32 v42, v25  }
0x117: {  	v49 =	vor.u32 $0x100, v28;
	v41 =	vsub.f32 v60, v39  }
0x118: {  	[tilespmem:s1+$0x80] =	vst v30;
	v30 =	vadd.f32 v63, v40  }
0x119: {  	v52 =	vor.u32 $0x100, v18;
	v50 =	vld.idx.msk [tilespmem:v61+s14+$0x0], $0xffff;
	v51 =	vmul.f32 v41, v17  }
0x11a: {  	v53 =	vld.idx.msk [tilespmem:v62+s14+$0x0], $0xffff;
	[tilespmem:s18+$0x80] =	vst v30;
	v30 =	vor.u32 $0x100, v19  }
0x11b: {  	v38 =	vsub.f32 v38, v36;
	v39 =	vadd.f32 v51, v39;
	v42 =	vld.idx.msk [tilespmem:v48+s14+$0x0], $0xffff  }
0x11c: {  	v54 =	vld.idx.msk [tilespmem:v49+s14+$0x0], $0xffff  }
0x11d: {  	v56 =	vor.u32 $0x180, v16;
	v38 =	vmul.f32 v38, v14;
	[tilespmem:s3+$0x80] =	vst v39  }
0x11e: {  	v55 =	vor.u32 $0x180, v15;
	v41 =	vld.idx.msk [tilespmem:v52+s14+$0x0], $0xffff  }
0x11f: {  	v57 =	vadd.f32 v38, v36;
	v43 =	vsub.f32 v53, v50;
	v30 =	vld.idx.msk [tilespmem:v30+s14+$0x0], $0xffff;
	_ =	sdelay $0x1  }
0x120: {  	[tilespmem:s0+$0x100] =	vst v57;
	v60 =	vor.u32 $0x180, v12;
	v58 =	vmul.f32 v43, v10;
	v40 =	vsub.f32 v54, v42  }
0x121: {  	v44 =	vld.idx.msk [tilespmem:v56+s14+$0x0], $0xffff;
	v59 =	vor.u32 $0x180, v13  }
0x122: {  	v62 =	vor.u32 $0x180, v20;
	v37 =	vadd.f32 v58, v50;
	v39 =	vld.idx.msk [tilespmem:v55+s14+$0x0], $0xffff;
	v61 =	vmul.f32 v40, v25  }
0x123: {  	v63 =	vor.u32 $0x180, v28;
	v30 =	vsub.f32 v30, v41  }
0x124: {  	[tilespmem:s1+$0x100] =	vst v37;
	v48 =	vadd.f32 v61, v42  }
0x125: {  	v50 =	vor.u32 $0x180, v18;
	v36 =	vld.idx.msk [tilespmem:v60+s14+$0x0], $0xffff;
	v30 =	vmul.f32 v30, v17  }
0x126: {  	v34 =	vmul.f32 v34, v3;
	v51 =	vor.u32 $0x180, v19;
	v49 =	vld.idx.msk [tilespmem:v59+s14+$0x0], $0xffff;
	[tilespmem:s18+$0x100] =	vst v48  }
0x127: {  	v55 =	vor.u32 $0x200, v7;
	v53 =	vsub.f32 v44, v39;
	v40 =	vld.idx.msk [tilespmem:v62+s14+$0x0], $0xffff;
	v30 =	vadd.f32 v30, v41  }
0x128: {  	v52 =	vor.u32 $0x200, v8;
	v54 =	vld.idx.msk [tilespmem:v63+s14+$0x0], $0xffff  }
0x129: {  	v27 =	vadd.f32 v34, v27;
	v56 =	vor.u32 $0x200, v15;
	[tilespmem:s3+$0x100] =	vst v30;
	v30 =	vmul.f32 v53, v14  }
0x12a: {  	v57 =	vor.u32 $0x200, v16;
	v42 =	vld.idx.msk [tilespmem:v50+s14+$0x0], $0xffff  }
0x12b: {  	[tilespmem:s30+$0x180] =	vst v27;
	v36 =	vsub.f32 v36, v49;
	v37 =	vld.idx.msk [tilespmem:v51+s14+$0x0], $0xffff;
	v27 =	vadd.f32 v30, v39  }
0x12c: {  	v29 =	vadd.f32 v35, v29;
	v60 =	vld.idx.msk [tilespmem:v55+s14+$0x0], $0xffff  }
0x12d: {  	v58 =	vor.u32 $0x200, v13;
	v36 =	vmul.f32 v36, v10;
	v30 =	vld.idx.msk [tilespmem:v52+s14+$0x0], $0xffff;
	v59 =	vsub.f32 v54, v40;
	[tilespmem:s0+$0x180] =	vst v27  }
0x12e: {  	v27 =	vor.u32 $0x200, v12;
	v34 =	vld.idx.msk [tilespmem:v56+s14+$0x0], $0xffff  }
0x12f: {  	[tilespmem:s31+$0x200] =	vst v29;
	v36 =	vadd.f32 v36, v49;
	v62 =	vor.u32 $0x200, v20;
	v61 =	vmul.f32 v59, v25;
	v43 =	vld.idx.msk [tilespmem:v57+s14+$0x0], $0xffff  }
0x130: {  	v33 =	vld.idx.msk [tilespmem:v33+s14+$0x0], $0xffff;
	v63 =	vor.u32 $0x200, v28;
	v37 =	vsub.f32 v37, v42  }
0x131: {  	v32 =	vld.idx.msk [tilespmem:v32+s14+$0x0], $0xffff;
	[tilespmem:s1+$0x180] =	vst v36;
	v47 =	vadd.f32 v61, v40  }
0x132: {  	v49 =	vor.u32 $0x200, v18;
	v48 =	vld.idx.msk [tilespmem:v58+s14+$0x0], $0xffff;
	v50 =	vsub.f32 v60, v30;
	v37 =	vmul.f32 v37, v17  }
0x133: {  	v53 =	vor.u32 $0x280, v8;
	v51 =	vor.u32 $0x200, v19;
	[tilespmem:s18+$0x180] =	vst v47;
	v27 =	vld.idx.msk [tilespmem:v27+s14+$0x0], $0xffff  }
0x134: {  	v52 =	vld.idx.msk [tilespmem:v62+s14+$0x0], $0xffff;
	v29 =	vmul.f32 v50, v3;
	v37 =	vadd.f32 v37, v42;
	v54 =	vsub.f32 v43, v34  }
0x135: {  	v31 =	vsub.f32 v31, v26;
	v56 =	vor.u32 $0x280, v7;
	v55 =	vld.idx.msk [tilespmem:v63+s14+$0x0], $0xffff  }
0x136: {  	v57 =	vor.u32 $0x280, v15;
	v29 =	vadd.f32 v29, v30;
	[tilespmem:s3+$0x180] =	vst v37;
	v30 =	vmul.f32 v54, v14  }
0x137: {  	v31 =	vmul.f32 v31, v1;
	v32 =	vsub.f32 v32, v33;
	v58 =	vor.u32 $0x280, v16;
	v39 =	vld.idx.msk [tilespmem:v49+s14+$0x0], $0xffff  }
0x138: {  	v45 =	vor.u32 $0x300, v4;
	v36 =	vld.idx.msk [tilespmem:v51+s14+$0x0], $0xffff;
	[tilespmem:s30+$0x200] =	vst v29;
	v27 =	vsub.f32 v27, v48;
	v30 =	vadd.f32 v30, v34  }
0x139: {  	v26 =	vadd.f32 v31, v26;
	v32 =	vmul.f32 v32, v6;
	v47 =	vor.u32 $0x300, v11;
	v59 =	vld.idx.msk [tilespmem:v53+s14+$0x0], $0xffff  }
0x13a: {  	v60 =	vor.u32 $0x280, v13;
	v42 =	vsub.f32 v55, v52;
	v31 =	vld.idx.msk [tilespmem:v56+s14+$0x0], $0xffff;
	v27 =	vmul.f32 v27, v10;
	[tilespmem:s0+$0x200] =	vst v30  }
0x13b: {  	v32 =	vadd.f32 v32, v33;
	v30 =	vor.u32 $0x280, v12;
	v37 =	vld.idx.msk [tilespmem:v57+s14+$0x0], $0xffff  }
0x13c: {  	[tilespmem:s28+$0x280] =	vst v26;
	v62 =	vor.u32 $0x280, v20;
	v61 =	vmul.f32 v42, v25;
	v26 =	vld.idx.msk [tilespmem:v58+s14+$0x0], $0xffff;
	v27 =	vadd.f32 v27, v48  }
0x13d: {  	[tilespmem:s31+$0x280] =	vst v32;
	v63 =	vor.u32 $0x280, v28;
	v49 =	vld.idx.msk [tilespmem:v45+s14+$0x0], $0xffff;
	v36 =	vsub.f32 v36, v39  }
0x13e: {  	v29 =	vor.u32 $0x300, v5;
	v53 =	vld.idx.msk [tilespmem:v47+s14+$0x0], $0xffff;
	[tilespmem:s1+$0x200] =	vst v27;
	v27 =	vadd.f32 v61, v52  }
0x13f: {  	v46 =	vor.u32 $0x280, v18;
	v36 =	vmul.f32 v36, v17;
	v35 =	vld.idx.msk [tilespmem:v60+s14+$0x0], $0xffff  }
0x140: {  	v31 =	vsub.f32 v31, v59;
	v30 =	vld.idx.msk [tilespmem:v30+s14+$0x0], $0xffff;
	[tilespmem:s18+$0x200] =	vst v27;
	v27 =	vor.u32 $0x280, v19  }
0x141: {  	v48 =	vor.u32 $0x300, v9;
	v36 =	vadd.f32 v36, v39;
	v26 =	vsub.f32 v26, v37;
	v42 =	vld.idx.msk [tilespmem:v62+s14+$0x0], $0xffff  }
0x142: {  	v50 =	vor.u32 $0x300, v8;
	v31 =	vmul.f32 v31, v3;
	v41 =	vld.idx.msk [tilespmem:v63+s14+$0x0], $0xffff  }
0x143: {  	v29 =	vld.idx.msk [tilespmem:v29+s14+$0x0], $0xffff;
	v52 =	vor.u32 $0x300, v15;
	[tilespmem:s3+$0x200] =	vst v36;
	v26 =	vmul.f32 v26, v14  }
0x144: {  	v54 =	vor.u32 $0x300, v16;
	v31 =	vadd.f32 v31, v59;
	v38 =	vld.idx.msk [tilespmem:v46+s14+$0x0], $0xffff  }
0x145: {  	v51 =	vor.u32 $0x300, v7;
	v30 =	vsub.f32 v30, v35;
	v26 =	vadd.f32 v26, v37;
	v27 =	vld.idx.msk [tilespmem:v27+s14+$0x0], $0xffff  }
0x146: {  	v55 =	vld.idx.msk [tilespmem:v48+s14+$0x0], $0xffff;
	[tilespmem:s30+$0x280] =	vst v31  }
0x147: {  	v31 =	vor.u32 $0x300, v13;
	v57 =	vld.idx.msk [tilespmem:v50+s14+$0x0], $0xffff;
	v30 =	vmul.f32 v30, v10;
	v56 =	vsub.f32 v41, v42;
	[tilespmem:s0+$0x280] =	vst v26  }
0x148: {  	v58 =	vor.u32 $0x300, v12;
	v33 =	vsub.f32 v49, v29;
	v32 =	vld.idx.msk [tilespmem:v52+s14+$0x0], $0xffff  }
0x149: {  	v59 =	vor.u32 $0x300, v20;
	v61 =	vld.idx.msk [tilespmem:v54+s14+$0x0], $0xffff;
	v26 =	vadd.f32 v30, v35;
	v30 =	vmul.f32 v56, v25  }
0x14a: {  	v60 =	vor.u32 $0x300, v28;
	v36 =	vld.idx.msk [tilespmem:v51+s14+$0x0], $0xffff;
	v27 =	vsub.f32 v27, v38  }
0x14b: {  	v5 =	vor.u32 $0x380, v5;
	[tilespmem:s1+$0x280] =	vst v26;
	v26 =	vmul.f32 v33, v1;
	v30 =	vadd.f32 v30, v42  }
0x14c: {  	v62 =	vor.u32 $0x300, v18;
	v31 =	vld.idx.msk [tilespmem:v31+s14+$0x0], $0xffff;
	v27 =	vmul.f32 v27, v17  }
0x14d: {  	s20 =	sadd.s32 $0x1, s13;
	v37 =	vsub.f32 v55, v53;
	v26 =	vadd.f32 v26, v29;
	v29 =	vld.idx.msk [tilespmem:v58+s14+$0x0], $0xffff;
	[tilespmem:s18+$0x280] =	vst v30;
	v30 =	vor.u32 $0x300, v19  }
0x14e: {  	s21 =	sand.u32 $0x3, s20;
	s13 =	sadd.s32 $0x1, s20;
	v4 =	vor.u32 $0x380, v4;
	v33 =	vsub.f32 v61, v32;
	v35 =	vld.idx.msk [tilespmem:v59+s14+$0x0], $0xffff;
	v27 =	vadd.f32 v27, v38  }
0x14f: {  	s24 =	sand.u32 $0x3, s13;
	v11 =	vor.u32 $0x380, v11;
	s0 =	sshll.u32 s21, $0x5;
	v37 =	vmul.f32 v37, v6;
	v63 =	vld.idx.msk [tilespmem:v60+s14+$0x0], $0xffff;
	[tilespmem:s8+$0x13300] =	vst v26;
	v26 =	vsub.f32 v36, v57  }
0x150: {  	v9 =	vor.u32 $0x380, v9;
	s0 =	sadd.s32 s0, s29;
	s18 =	sshll.u32 s24, $0x5;
	v33 =	vmul.f32 v33, v14;
	v5 =	vld.idx.msk [tilespmem:v5+s14+$0x0], $0xffff;
	[tilespmem:s3+$0x280] =	vst v27  }
0x151: {  	v15 =	vor.u32 $0x380, v15;
	v34 =	vadd.f32 v37, v53;
	s1 =	sadd.s32 s18, s7;
	s8 =	sadd.s32 $0x10, s0;
	v26 =	vmul.f32 v26, v3;
	v27 =	vld.idx.msk [tilespmem:v62+s14+$0x0], $0xffff  }
0x152: {  	v16 =	vor.u32 $0x380, v16;
	s22 =	sor.u32 $0x300, s8;
	v32 =	vadd.f32 v33, v32;
	s3 =	sadd.s32 $0x10, s1;
	v30 =	vld.idx.msk [tilespmem:v30+s14+$0x0], $0xffff  }
0x153: {  	v8 =	vor.u32 $0x380, v8;
	v4 =	vld.idx.msk [tilespmem:v4+s14+$0x0], $0xffff;
	[tilespmem:s22+$0x13300] =	vst v34;
	v29 =	vsub.f32 v29, v31;
	s20 =	sor.u32 $0x300, s3;
	v26 =	vadd.f32 v26, v57  }
0x154: {  	s13 =	sadd.s32 $0x1, s13;
	v7 =	vor.u32 $0x380, v7;
	s19 =	sor.u32 $0x300, s0;
	v11 =	vld.idx.msk [tilespmem:v11+s14+$0x0], $0xffff;
	v40 =	vsub.f32 v63, v35;
	[tilespmem:s20+$0x13300] =	vst v32  }
0x155: {  	s13 =	sand.u32 $0x3, s13;
	v13 =	vor.u32 $0x380, v13;
	v9 =	vld.idx.msk [tilespmem:v9+s14+$0x0], $0xffff;
	[tilespmem:s19+$0x13300] =	vst v26;
	v26 =	vmul.f32 v29, v10  }
0x156: {  	v20 =	vor.u32 $0x380, v20;
	s21 =	sshll.u32 s13, $0x5;
	v15 =	vld.idx.msk [tilespmem:v15+s14+$0x0], $0xffff;
	v29 =	vmul.f32 v40, v25  }
0x157: {  	v12 =	vor.u32 $0x380, v12;
	s7 =	sadd.s32 s21, s12;
	v16 =	vld.idx.msk [tilespmem:v16+s14+$0x0], $0xffff;
	v26 =	vadd.f32 v26, v31;
	v30 =	vsub.f32 v30, v27  }
0x158: {  	v28 =	vor.u32 $0x380, v28;
	s24 =	sadd.s32 $0x10, s7;
	s22 =	sor.u32 $0x300, s1;
	v8 =	vld.idx.msk [tilespmem:v8+s14+$0x0], $0xffff;
	v29 =	vadd.f32 v29, v35  }
0x159: {  	v18 =	vor.u32 $0x380, v18;
	s18 =	sor.u32 $0x300, s24;
	v7 =	vld.idx.msk [tilespmem:v7+s14+$0x0], $0xffff;
	[tilespmem:s22+$0x13300] =	vst v26;
	v26 =	vmul.f32 v30, v17  }
0x15a: {  	v19 =	vor.u32 $0x380, v19;
	[tilespmem:s18+$0x13300] =	vst v29;
	v13 =	vld.idx.msk [tilespmem:v13+s14+$0x0], $0xffff  }
0x15b: {  	v20 =	vld.idx.msk [tilespmem:v20+s14+$0x0], $0xffff;
	v26 =	vadd.f32 v26, v27  }
0x15c: {  	v24 =	vsub.f32 v24, v21;
	s19 =	sor.u32 $0x300, s7;
	v12 =	vld.idx.msk [tilespmem:v12+s14+$0x0], $0xffff  }
0x15d: {  	v23 =	vsub.f32 v23, v22;
	v27 =	vld.idx.msk [tilespmem:v28+s14+$0x0], $0xffff;
	[tilespmem:s19+$0x13300] =	vst v26  }
0x15e: {  	v0 =	vmul.f32 v24, v0;
	v4 =	vsub.f32 v4, v5;
	v18 =	vld.idx.msk [tilespmem:v18+s14+$0x0], $0xffff  }
0x15f: {  	v2 =	vmul.f32 v23, v2;
	v9 =	vsub.f32 v9, v11;
	v19 =	vld.idx.msk [tilespmem:v19+s14+$0x0], $0xffff  }
0x160: {  	v0 =	vadd.f32 v0, v21;
	v1 =	vmul.f32 v4, v1;
	v4 =	vsub.f32 v7, v8  }
0x161: {  	v2 =	vadd.f32 v2, v22;
	v6 =	vmul.f32 v9, v6;
	v9 =	vsub.f32 v16, v15  }
0x162: {  	s11 =	sor.u32 $0x380, s11;
	[tilespmem:s2+$0x13300] =	vst v0;
	v0 =	vadd.f32 v1, v5;
	v1 =	vmul.f32 v4, v3;
	v3 =	vsub.f32 v12, v13  }
0x163: {  	[tilespmem:s11+$0x13300] =	vst v2;
	v2 =	vadd.f32 v6, v11;
	v6 =	vmul.f32 v9, v14;
	v7 =	vsub.f32 v27, v20  }
0x164: {  	s20 =	sor.u32 $0x380, s8;
	[tilespmem:s10+$0x13300] =	vst v0;
	v0 =	vadd.f32 v1, v8;
	v1 =	vmul.f32 v3, v10;
	v5 =	vsub.f32 v19, v18  }
0x165: {  	s0 =	sor.u32 $0x380, s0;
	[tilespmem:s20+$0x13300] =	vst v2;
	v2 =	vadd.f32 v6, v15;
	v4 =	vmul.f32 v7, v25  }
0x166: {  	s2 =	smul.u32 $0x22D800, s25;
	s21 =	sor.u32 $0x380, s3;
	[tilespmem:s0+$0x13300] =	vst v0;
	v0 =	vadd.f32 v1, v13;
	v3 =	vmul.f32 v5, v17  }
0x167: {  	s1 =	sor.u32 $0x380, s1;
	[tilespmem:s21+$0x13300] =	vst v2;
	v2 =	vadd.f32 v4, v20  }
0x168: {  	s22 =	sor.u32 $0x380, s24;
	s0 =	sshrl.u32 @p0 s2, $0x3;
	[tilespmem:s1+$0x13300] =	vst v0;
	v1 =	vadd.f32 v3, v18  }
0x169: {  	s24 =	sor.u32 $0x380, s7;
	s0 =	sadd.s32 @p0 s5, s0;
	[tilespmem:s22+$0x13300] =	vst v2  }
0x16a: {  	s3 =	simm.s32 @p0 $0x13300;
	s0 =	sadd.s32 @p0 $0x21E80, s0;
	s1 =	simm.s32 @p0 $0x0;
	[tilespmem:s24+$0x13300] =	vst v1  }
0x16b: {  	[hbm4b:s0+s1] =	stream.linear.scatter @p0 [tilespmem:s3], [sflag:$0x3], $0x7400, $0x38;
	[tilespmem:$0x1BF00] =	vst v63  }
0x16c: {  	s0 =	sshll.u32 @p0 s25, $0x8  }
0x16d: {  	s3 =	simm.s32 @p0 $0x1A700;
	s0 =	sadd.s32 @p0 s6, s0  }
0x16e: {  	[hbm4b:s0+s1] =	stream.linear.scatter @p0 [tilespmem:s3], [sflag:$0x3], $0x400, $0x38;
	[tilespmem:$0x1BF00] =	vst v63  }
0x16f: {  	s0 =	sadd.s32 @!p0 s9, s2  }
0x170: {  	p2 =	seq.s32 s25, $0x7;
	s0 =	sshrl.u32 @!p0 s0, $0x3  }
0x171: {  	s1 =	simm.s32 @!p0 $0x0;
	s2 =	simm.s32 @!p0 $0x13300;
	s0 =	sadd.s32 @!p0 s5, s0  }
0x172: {  	[hbm4b:s0+s1] =	stream.linear.scatter @!p0 [tilespmem:s2], [sflag:$0x3], $0x8C00, $0x38;
	[tilespmem:$0x1BF00] =	vst v63  }
0x173: {  	s0 =	sshll.u32 @!p2 s25, $0x12;
	s1 =	rddreg [dreg:$0xb]  }
0x174: {  	s2 =	simm.s32 @!p2 $0x2300;
	s0 =	sadd.s32 @!p2 s0, s1;
	s1 =	simm.s32 @!p2 $0x0  }
0x175: {  	[tilespmem:s2], [sflag:$0x1] =	stream.linear.gather @!p2 [hbm4b:s0+s1], $0x8800, $0x38;
	[tilespmem:$0x1BF00] =	vst v63  }
0x176: {  	_ =	swait.ge [sflag:s17], $0x8800  }
0x177: {  	[sflag:s17] =	ssyncset.done $0x0  }
0x178: {  	s0 =	simm.s32 @p0 $0x3;
	[sflag:s17] =	ssyncadd.s32 $0xFFFF7800  }
0x179: {  	_ =	swait.ge @p0 [sflag:s0], $0x7400  }
0x17a: {  	[sflag:s0] =	ssyncset.done @p0 $0x0  }
0x17b: {  	[sflag:s0] =	ssyncadd.s32 @p0 $0xFFFF8C00  }
0x17c: {  	_ =	swait.ge @p0 [sflag:s0], $0x400  }
0x17d: {  	[sflag:s0] =	ssyncset.done @p0 $0x0  }
0x17e: {  	s7 =	simm.s32 $0x0;
	s1 =	simm.s32 @!p0 $0x3;
	[sflag:s0] =	ssyncadd.s32 @p0 $0xFFFFFC00  }
0x17f: {  	s8 =	sand.u32 $0x60, s7;
	_ =	swait.ge @!p0 [sflag:s1], $0x8C00  }
0x180: {  	s11 =	sor.u32 $0x10, s8;
	s2 =	sand.u32 $0x1F80, s7;
	[sflag:s1] =	ssyncset.done @!p0 $0x0  }
0x181: {  	s12 =	sor.u32 s2, s11;
	[sflag:s1] =	ssyncadd.s32 @!p0 $0xFFFF7400  }
0x182: {  	v0 =	vld [tilespmem:s12+$0x0];
	_ =	sdelay $0x4  }
0x183: {  	v1 =	vadd.s32 $0x1, v0  }
0x184: {  	vm0 =	vlt.s32 v1, $0x10FF  }
0x185: {  	v2 =	vshll.u32 v0, $0x3;
	v1 =	vnsel vm0, $0x10FF, v1  }
0x186: {  	v0 =	vand.u32 $0x7F, v0;
	v2 =	vand.u32 $0xFFFFFC00, v2;
	v3 =	vshll.u32 v1, $0x3  }
0x187: {  	v12 =	vor.u32 v0, v2;
	v0 =	vand.u32 $0x7F, v1;
	v1 =	vand.u32 $0xFFFFFC00, v3  }
0x188: {  	v11 =	vor.u32 v0, v1;
	_ =	sdelay $0x1  }
0x189: {  	s2 =	simm.s32 $0x0  }
0x18a: {  	v0 =	vld [tilespmem:s2+$0x0]  }
0x18b: {  	v1 =	vld.idx.msk [tilespmem:v12+s15+$0x0], $0xffff  }
0x18c: {  	v2 =	vld.idx.msk [tilespmem:v11+s15+$0x0], $0xffff;
	_ =	sdelay $0x1  }
0x18d: {  	v17 =	vld [tilespmem:s12+$0x1180];
	_ =	sdelay $0x1  }
0x18e: {  	v3 =	vand.u32 $0x7F, v0;
	v4 =	vshll.u32 v0, $0x3;
	v0 =	vadd.s32 $0x1, v0  }
0x18f: {  	v4 =	vand.u32 $0xFFFFFC00, v4;
	vm7 =	vlt.s32 v0, $0x10FF;
	v2 =	vsub.f32 v2, v1  }
0x190: {  	v0 =	vnsel vm7, $0x10FF, v0;
	v19 =	vor.u32 v3, v4  }
0x191: {  	v4 =	vor.u32 $0x80, v12;
	v3 =	vshll.u32 v0, $0x3;
	v2 =	vmul.f32 v2, v17  }
0x192: {  	s13 =	sand.u32 $0xFC00, s2;
	v5 =	vor.u32 $0x80, v11;
	v0 =	vand.u32 $0x7F, v0;
	v3 =	vand.u32 $0xFFFFFC00, v3  }
0x193: {  	s18 =	sadd.s32 $0x13300, s13;
	v18 =	vor.u32 v0, v3;
	v0 =	vadd.f32 v2, v1  }
0x194: {  	s3 =	sor.u32 s11, s18  }
0x195: {  	[tilespmem:s3+$0x0] =	vst v0  }
0x196: {  	s20 =	simm.s32 $0x20;
	v2 =	vld.idx.msk [tilespmem:v4+s15+$0x0], $0xffff  }
0x197: {  	s21 =	sand.u32 $0x60, s20;
	v3 =	vld.idx.msk [tilespmem:v5+s15+$0x0], $0xffff  }
0x198: {  	s10 =	sand.u32 $0x1F80, s20;
	s24 =	sor.u32 $0x10, s21;
	v1 =	vld.idx.msk [tilespmem:v19+s15+$0x0], $0xffff  }
0x199: {  	s10 =	sor.u32 s10, s24;
	v4 =	vld.idx.msk [tilespmem:v18+s15+$0x0], $0xffff  }
0x19a: {  	s19 =	simm.s32 $0x1180;
	v6 =	vld [tilespmem:s10+$0x0]  }
0x19b: {  	v0 =	vld [tilespmem:s19+$0x0]  }
0x19c: {  	v3 =	vsub.f32 v3, v2;
	_ =	sdelay $0x1  }
0x19d: {  	s22 =	simm.s32 $0x20;
	v7 =	vor.u32 $0x100, v12;
	v4 =	vsub.f32 v4, v1;
	v3 =	vmul.f32 v3, v17  }
0x19e: {  	v8 =	vor.u32 $0x100, v11;
	v5 =	vld [tilespmem:s22+$0x0]  }
0x19f: {  	v10 =	vadd.s32 $0x1, v6;
	v4 =	vmul.f32 v4, v0;
	v2 =	vadd.f32 v3, v2  }
0x1a0: {  	v13 =	vshll.u32 v6, $0x3;
	vm8 =	vlt.s32 v10, $0x10FF;
	v3 =	vor.u32 $0x80, v19  }
0x1a1: {  	v10 =	vnsel vm8, $0x10FF, v10;
	v1 =	vadd.f32 v4, v1;
	v4 =	vor.u32 $0x80, v18;
	[tilespmem:s3+$0x80] =	vst v2  }
0x1a2: {  	v6 =	vand.u32 $0x7F, v6;
	v13 =	vand.u32 $0xFFFFFC00, v13;
	v14 =	vshll.u32 v10, $0x3;
	v7 =	vld.idx.msk [tilespmem:v7+s15+$0x0], $0xffff  }
0x1a3: {  	s0 =	sor.u32 s8, s18;
	v20 =	vor.u32 v6, v13;
	v6 =	vand.u32 $0xFFFFFC00, v14;
	v9 =	vand.u32 $0x7F, v5;
	v8 =	vld.idx.msk [tilespmem:v8+s15+$0x0], $0xffff  }
0x1a4: {  	v2 =	vshll.u32 v5, $0x3;
	v5 =	vadd.s32 $0x1, v5;
	[tilespmem:s0+$0x0] =	vst v1;
	v1 =	vand.u32 $0x7F, v10  }
0x1a5: {  	vm9 =	vlt.s32 v5, $0x10FF;
	v21 =	vor.u32 v1, v6;
	v3 =	vld.idx.msk [tilespmem:v3+s15+$0x0], $0xffff  }
0x1a6: {  	v2 =	vand.u32 $0xFFFFFC00, v2;
	v10 =	vnsel vm9, $0x10FF, v5;
	v6 =	vld.idx.msk [tilespmem:v4+s15+$0x0], $0xffff  }
0x1a7: {  	v5 =	vor.u32 v9, v2;
	v1 =	vshll.u32 v10, $0x3  }
0x1a8: {  	v2 =	vand.u32 $0x7F, v10;
	v4 =	vand.u32 $0xFFFFFC00, v1;
	v8 =	vsub.f32 v8, v7  }
0x1a9: {  	v9 =	vld.idx.msk [tilespmem:v20+s15+$0x0], $0xffff;
	v4 =	vor.u32 v2, v4  }
0x1aa: {  	s12 =	simm.s32 $0x11A0;
	v10 =	vld.idx.msk [tilespmem:v21+s15+$0x0], $0xffff;
	v2 =	vmul.f32 v8, v17;
	v8 =	vor.u32 $0x180, v12  }
0x1ab: {  	v13 =	vor.u32 $0x180, v11;
	v1 =	vld [tilespmem:s12+$0x0];
	v6 =	vsub.f32 v6, v3  }
0x1ac: {  	v7 =	vadd.f32 v2, v7;
	v2 =	vld [tilespmem:s10+$0x1180]  }
0x1ad: {  	v16 =	vor.u32 $0x100, v19;
	v14 =	vld.idx.msk [tilespmem:v5+s15+$0x0], $0xffff;
	v6 =	vmul.f32 v6, v0  }
0x1ae: {  	v15 =	vld.idx.msk [tilespmem:v4+s15+$0x0], $0xffff;
	[tilespmem:s3+$0x100] =	vst v7;
	v7 =	vor.u32 $0x100, v18  }
0x1af: {  	v3 =	vadd.f32 v6, v3;
	v6 =	vsub.f32 v10, v9;
	v8 =	vld.idx.msk [tilespmem:v8+s15+$0x0], $0xffff  }
0x1b0: {  	v10 =	vld.idx.msk [tilespmem:v13+s15+$0x0], $0xffff  }
0x1b1: {  	s13 =	simm.s32 $0x100;
	[tilespmem:s0+$0x80] =	vst v3;
	v3 =	vmul.f32 v6, v2;
	v6 =	vor.u32 $0x80, v20  }
0x1b2: {  	s8 =	sand.u32 $0xFC00, s13;
	v13 =	vld.idx.msk [tilespmem:v16+s15+$0x0], $0xffff;
	v16 =	vor.u32 $0x80, v21  }
0x1b3: {  	s8 =	sadd.s32 $0x13300, s8;
	v15 =	vsub.f32 v15, v14;
	v7 =	vld.idx.msk [tilespmem:v7+s15+$0x0], $0xffff;
	v3 =	vadd.f32 v3, v9  }
0x1b4: {  	s18 =	simm.s32 $0x40;
	s1 =	sor.u32 s24, s8  }
0x1b5: {  	v22 =	vld [tilespmem:s18+$0x0];
	s19 =	simm.s32 $0x40;
	v9 =	vmul.f32 v15, v1;
	v15 =	vor.u32 $0x80, v5;
	v10 =	vsub.f32 v10, v8;
	[tilespmem:s1+$0x0] =	vst v3  }
0x1b6: {  	s20 =	sand.u32 $0x60, s19;
	v23 =	vor.u32 $0x80, v4;
	v6 =	vld.idx.msk [tilespmem:v6+s15+$0x0], $0xffff  }
0x1b7: {  	s28 =	sor.u32 s21, s8;
	s21 =	sor.u32 $0x10, s20;
	s10 =	sand.u32 $0x1F80, s19;
	v3 =	vadd.f32 v9, v14;
	v9 =	vmul.f32 v10, v17;
	v10 =	vor.u32 $0x200, v12;
	v14 =	vld.idx.msk [tilespmem:v16+s15+$0x0], $0xffff  }
0x1b8: {  	s10 =	sor.u32 s10, s21;
	v16 =	vor.u32 $0x200, v11;
	v7 =	vsub.f32 v7, v13  }
0x1b9: {  	v24 =	vld [tilespmem:s10+$0x0];
	[tilespmem:s28+$0x0] =	vst v3;
	v3 =	vadd.f32 v9, v8  }
0x1ba: {  	v15 =	vld.idx.msk [tilespmem:v15+s15+$0x0], $0xffff;
	v7 =	vmul.f32 v7, v0  }
0x1bb: {  	v25 =	vor.u32 $0x100, v20;
	v27 =	vor.u32 $0x100, v21;
	v8 =	vld.idx.msk [tilespmem:v23+s15+$0x0], $0xffff;
	[tilespmem:s3+$0x180] =	vst v3  }
0x1bc: {  	v23 =	vld.idx.msk [tilespmem:v10+s15+$0x0], $0xffff;
	v10 =	vadd.f32 v7, v13;
	v7 =	vadd.s32 $0x1, v22;
	v13 =	vsub.f32 v14, v6  }
0x1bd: {  	v9 =	vor.u32 $0x180, v19;
	v3 =	vand.u32 $0x7F, v22;
	v14 =	vld.idx.msk [tilespmem:v16+s15+$0x0], $0xffff;
	vm10 =	vlt.s32 v7, $0x10FF  }
0x1be: {  	v22 =	vshll.u32 v22, $0x3;
	v7 =	vnsel vm10, $0x10FF, v7;
	v13 =	vmul.f32 v13, v2  }
0x1bf: {  	v16 =	vor.u32 $0x180, v18;
	v22 =	vand.u32 $0xFFFFFC00, v22;
	v26 =	vshll.u32 v7, $0x3  }
0x1c0: {  	s24 =	simm.s32 $0x60;
	v7 =	vand.u32 $0x7F, v7;
	v26 =	vand.u32 $0xFFFFFC00, v26;
	v6 =	vadd.f32 v13, v6  }
0x1c1: {  	v42 =	vld [tilespmem:s24+$0x0];
	[tilespmem:s0+$0x100] =	vst v10;
	v13 =	vsub.f32 v8, v15;
	v8 =	vor.u32 v3, v22;
	v22 =	vadd.s32 $0x1, v24  }
0x1c2: {  	v28 =	vld.idx.msk [tilespmem:v9+s15+$0x0], $0xffff;
	v7 =	vor.u32 v7, v26;
	v26 =	vshll.u32 v24, $0x3;
	[tilespmem:s1+$0x80] =	vst v6;
	v6 =	vsub.f32 v14, v23  }
0x1c3: {  	vm11 =	vlt.s32 v22, $0x10FF;
	v14 =	vand.u32 $0x7F, v24;
	v24 =	vand.u32 $0xFFFFFC00, v26;
	v25 =	vld.idx.msk [tilespmem:v25+s15+$0x0], $0xffff  }
0x1c4: {  	s22 =	simm.s32 $0x11C0;
	v22 =	vnsel vm11, $0x10FF, v22;
	v26 =	vld.idx.msk [tilespmem:v27+s15+$0x0], $0xffff;
	v27 =	vor.u32 $0x280, v12;
	v6 =	vmul.f32 v6, v17  }
0x1c5: {  	v3 =	vld [tilespmem:s22+$0x0];
	v10 =	vor.u32 v14, v24;
	v9 =	vshll.u32 v22, $0x3;
	v14 =	vor.u32 $0x280, v11  }
0x1c6: {  	v16 =	vld.idx.msk [tilespmem:v16+s15+$0x0], $0xffff;
	v22 =	vand.u32 $0x7F, v22;
	v9 =	vand.u32 $0xFFFFFC00, v9;
	v6 =	vadd.f32 v6, v23  }
0x1c7: {  	v9 =	vor.u32 v22, v9;
	v23 =	vld.idx.msk [tilespmem:v8+s15+$0x0], $0xffff  }
0x1c8: {  	v13 =	vmul.f32 v13, v1;
	v24 =	vor.u32 $0x100, v5;
	v22 =	vld.idx.msk [tilespmem:v7+s15+$0x0], $0xffff;
	[tilespmem:s3+$0x200] =	vst v6  }
0x1c9: {  	v6 =	vsub.f32 v26, v25;
	v27 =	vld.idx.msk [tilespmem:v27+s15+$0x0], $0xffff  }
0x1ca: {  	v13 =	vadd.f32 v13, v15;
	v15 =	vor.u32 $0x100, v4;
	v14 =	vld.idx.msk [tilespmem:v14+s15+$0x0], $0xffff  }
0x1cb: {  	v29 =	vor.u32 $0x180, v20;
	v26 =	vld.idx.msk [tilespmem:v10+s15+$0x0], $0xffff;
	v6 =	vmul.f32 v6, v2  }
0x1cc: {  	v30 =	vor.u32 $0x180, v21;
	v16 =	vsub.f32 v16, v28;
	[tilespmem:s28+$0x80] =	vst v13;
	v13 =	vld.idx.msk [tilespmem:v9+s15+$0x0], $0xffff  }
0x1cd: {  	v24 =	vld.idx.msk [tilespmem:v24+s15+$0x0], $0xffff;
	v25 =	vadd.f32 v6, v25  }
0x1ce: {  	v16 =	vmul.f32 v16, v0;
	v6 =	vld [tilespmem:s10+$0x1180]  }
0x1cf: {  	s29 =	simm.s32 $0x200;
	v31 =	vor.u32 $0x200, v19;
	v15 =	vld.idx.msk [tilespmem:v15+s15+$0x0], $0xffff;
	[tilespmem:s1+$0x100] =	vst v25;
	v14 =	vsub.f32 v14, v27  }
0x1d0: {  	s11 =	sand.u32 $0xFC00, s29;
	v16 =	vadd.f32 v16, v28;
	v25 =	vor.u32 $0x200, v18;
	v28 =	vld.idx.msk [tilespmem:v29+s15+$0x0], $0xffff  }
0x1d1: {  	s10 =	sadd.s32 $0x13300, s11;
	v13 =	vsub.f32 v13, v26;
	v29 =	vld.idx.msk [tilespmem:v30+s15+$0x0], $0xffff;
	v30 =	vor.u32 $0x300, v12;
	v14 =	vmul.f32 v14, v17  }
0x1d2: {  	v41 =	vor.u32 $0x300, v11;
	v22 =	vsub.f32 v22, v23;
	s31 =	sor.u32 s21, s10;
	s21 =	simm.s32 $0x80  }
0x1d3: {  	[tilespmem:s0+$0x180] =	vst v16;
	v16 =	vor.u32 $0x80, v10;
	v35 =	vld [tilespmem:s21+$0x0];
	v13 =	vmul.f32 v13, v6;
	v14 =	vadd.f32 v14, v27  }
0x1d4: {  	v22 =	vmul.f32 v22, v3;
	v27 =	vld.idx.msk [tilespmem:v31+s15+$0x0], $0xffff;
	v31 =	vor.u32 $0x80, v9  }
0x1d5: {  	v43 =	vor.u32 $0x80, v8;
	v15 =	vsub.f32 v15, v24;
	v25 =	vld.idx.msk [tilespmem:v25+s15+$0x0], $0xffff;
	v13 =	vadd.f32 v13, v26;
	[tilespmem:s3+$0x280] =	vst v14  }
0x1d6: {  	v45 =	vshll.u32 v42, $0x3;
	v22 =	vadd.f32 v22, v23;
	v14 =	vor.u32 $0x80, v7;
	v26 =	vld.idx.msk [tilespmem:v30+s15+$0x0], $0xffff  }
0x1d7: {  	v15 =	vmul.f32 v15, v1;
	v29 =	vsub.f32 v29, v28;
	[tilespmem:s31+$0x0] =	vst v13;
	v13 =	vor.u32 $0x180, v5;
	v23 =	vld.idx.msk [tilespmem:v41+s15+$0x0], $0xffff  }
0x1d8: {  	v34 =	vand.u32 $0xFFFFFC00, v45;
	s30 =	sor.u32 s20, s10;
	v16 =	vld.idx.msk [tilespmem:v16+s15+$0x0], $0xffff  }
0x1d9: {  	s12 =	simm.s32 $0x60;
	[tilespmem:s30+$0x0] =	vst v22;
	v15 =	vadd.f32 v15, v24;
	v30 =	vor.u32 $0x200, v20;
	v29 =	vmul.f32 v29, v2;
	v22 =	vld.idx.msk [tilespmem:v31+s15+$0x0], $0xffff  }
0x1da: {  	v50 =	vor.u32 $0x280, v20;
	s7 =	sand.u32 $0x60, s12;
	v24 =	vor.u32 $0x200, v21;
	v31 =	vld.idx.msk [tilespmem:v43+s15+$0x0], $0xffff;
	v25 =	vsub.f32 v25, v27  }
0x1db: {  	v44 =	vor.u32 $0x180, v4;
	s13 =	sor.u32 $0x10, s7;
	v51 =	vor.u32 $0x100, v8;
	[tilespmem:s28+$0x100] =	vst v15;
	s3 =	sand.u32 $0x1F80, s12;
	v28 =	vadd.f32 v29, v28;
	v14 =	vld.idx.msk [tilespmem:v14+s15+$0x0], $0xffff  }
0x1dc: {  	s18 =	sor.u32 s3, s13;
	v15 =	vmul.f32 v25, v0;
	v25 =	vadd.s32 $0x1, v42;
	v46 =	vld.idx.msk [tilespmem:v13+s15+$0x0], $0xffff;
	v13 =	vor.u32 $0x280, v19  }
0x1dd: {  	v47 =	vld [tilespmem:s18+$0x0];
	[tilespmem:s1+$0x180] =	vst v28;
	v28 =	vor.u32 $0x280, v18;
	v23 =	vsub.f32 v23, v26;
	vm12 =	vlt.s32 v25, $0x10FF  }
0x1de: {  	s2 =	sand.u32 $0x3, s2;
	v48 =	vor.u32 $0x100, v10;
	v30 =	vld.idx.msk [tilespmem:v30+s15+$0x0], $0xffff;
	v15 =	vadd.f32 v15, v27;
	v25 =	vnsel vm12, $0x10FF, v25  }
0x1df: {  	s2 =	sshll.u32 s2, $0x5;
	v24 =	vld.idx.msk [tilespmem:v24+s15+$0x0], $0xffff;
	v22 =	vsub.f32 v22, v16;
	v23 =	vmul.f32 v23, v17;
	v27 =	vor.u32 $0x380, v12  }
0x1e0: {  	s2 =	sadd.s32 $0x0, s2;
	v32 =	vld.idx.msk [tilespmem:v44+s15+$0x0], $0xffff;
	v12 =	vand.u32 $0x7F, v25;
	[tilespmem:s0+$0x200] =	vst v15;
	v15 =	vshll.u32 v25, $0x3;
	v25 =	vor.u32 $0x380, v11  }
0x1e1: {  	s3 =	sadd.s32 $0x10, s2;
	v22 =	vmul.f32 v22, v6;
	v14 =	vsub.f32 v14, v31;
	v49 =	vld.idx.msk [tilespmem:v13+s15+$0x0], $0xffff;
	v13 =	vadd.f32 v23, v26  }
0x1e2: {  	s19 =	simm.s32 $0x11E0;
	s20 =	sor.u32 $0x300, s3;
	v29 =	vand.u32 $0x7F, v42;
	v15 =	vand.u32 $0xFFFFFC00, v15;
	v23 =	vor.u32 $0x100, v9;
	v26 =	vld.idx.msk [tilespmem:v28+s15+$0x0], $0xffff  }
0x1e3: {  	v11 =	vld [tilespmem:s19+$0x0];
	v16 =	vadd.f32 v22, v16;
	v12 =	vor.u32 v12, v15;
	v14 =	vmul.f32 v14, v3;
	[tilespmem:s20+$0x13300] =	vst v13  }
0x1e4: {  	v15 =	vadd.s32 $0x1, v47;
	v24 =	vsub.f32 v24, v30;
	v13 =	vor.u32 v29, v34;
	v22 =	vld.idx.msk [tilespmem:v27+s15+$0x0], $0xffff  }
0x1e5: {  	vm13 =	vlt.s32 v15, $0x10FF;
	v27 =	vshll.u32 v47, $0x3;
	[tilespmem:s31+$0x80] =	vst v16;
	v14 =	vadd.f32 v14, v31;
	v25 =	vld.idx.msk [tilespmem:v25+s15+$0x0], $0xffff  }
0x1e6: {  	v16 =	vand.u32 $0x7F, v47;
	v24 =	vmul.f32 v24, v2;
	v27 =	vand.u32 $0xFFFFFC00, v27;
	v28 =	vld.idx.msk [tilespmem:v48+s15+$0x0], $0xffff  }
0x1e7: {  	v29 =	vnsel vm13, $0x10FF, v15;
	v23 =	vld.idx.msk [tilespmem:v23+s15+$0x0], $0xffff;
	v15 =	vor.u32 v16, v27;
	v27 =	vor.u32 $0x280, v21;
	[tilespmem:s30+$0x80] =	vst v14  }
0x1e8: {  	v52 =	vor.u32 $0x100, v7;
	v16 =	vshll.u32 v29, $0x3;
	v24 =	vadd.f32 v24, v30;
	v55 =	vld.idx.msk [tilespmem:v51+s15+$0x0], $0xffff  }
0x1e9: {  	v29 =	vand.u32 $0x7F, v29;
	v26 =	vsub.f32 v26, v49;
	v16 =	vand.u32 $0xFFFFFC00, v16;
	v30 =	vld.idx.msk [tilespmem:v13+s15+$0x0], $0xffff  }
0x1ea: {  	v16 =	vor.u32 v29, v16;
	v29 =	vld.idx.msk [tilespmem:v12+s15+$0x0], $0xffff;
	[tilespmem:s1+$0x200] =	vst v24  }
0x1eb: {  	v58 =	vor.u32 $0x300, v18;
	v24 =	vsub.f32 v32, v46;
	v26 =	vmul.f32 v26, v0;
	v34 =	vld.idx.msk [tilespmem:v50+s15+$0x0], $0xffff  }
0x1ec: {  	v57 =	vor.u32 $0x200, v4;
	v27 =	vld.idx.msk [tilespmem:v27+s15+$0x0], $0xffff  }
0x1ed: {  	v32 =	vld.idx.msk [tilespmem:v52+s15+$0x0], $0xffff;
	v24 =	vmul.f32 v24, v1;
	v26 =	vadd.f32 v26, v49;
	v23 =	vsub.f32 v23, v28  }
0x1ee: {  	v53 =	vor.u32 $0x200, v5;
	v31 =	vld.idx.msk [tilespmem:v15+s15+$0x0], $0xffff  }
0x1ef: {  	v24 =	vadd.f32 v24, v46;
	[tilespmem:s0+$0x280] =	vst v26;
	v54 =	vld.idx.msk [tilespmem:v16+s15+$0x0], $0xffff;
	v14 =	vmul.f32 v23, v6;
	v23 =	vor.u32 $0x180, v10  }
0x1f0: {  	v56 =	vor.u32 $0x180, v9;
	v25 =	vsub.f32 v25, v22;
	v62 =	vld.idx.msk [tilespmem:v58+s15+$0x0], $0xffff  }
0x1f1: {  	[tilespmem:s28+$0x180] =	vst v24;
	v28 =	vadd.f32 v14, v28;
	v14 =	vld [tilespmem:s18+$0x1180];
	v27 =	vsub.f32 v27, v34  }
0x1f2: {  	v24 =	vor.u32 $0x300, v19;
	v26 =	vld.idx.msk [tilespmem:v57+s15+$0x0], $0xffff  }
0x1f3: {  	v60 =	vor.u32 $0x300, v20;
	v17 =	vmul.f32 v25, v17;
	[tilespmem:s31+$0x100] =	vst v28;
	v28 =	vld.idx.msk [tilespmem:v53+s15+$0x0], $0xffff;
	v27 =	vmul.f32 v27, v2  }
0x1f4: {  	v25 =	vsub.f32 v29, v30;
	v29 =	vor.u32 $0x300, v21;
	v23 =	vld.idx.msk [tilespmem:v23+s15+$0x0], $0xffff;
	v59 =	vsub.f32 v54, v31  }
0x1f5: {  	v33 =	vor.u32 $0x280, v10;
	s12 =	simm.s32 $0x1200;
	v20 =	vor.u32 $0x380, v20;
	v36 =	vld.idx.msk [tilespmem:v56+s15+$0x0], $0xffff;
	v27 =	vadd.f32 v27, v34  }
0x1f6: {  	s21 =	simm.s32 $0x80;
	s20 =	simm.s32 $0x300;
	v61 =	vor.u32 $0x80, v15;
	v41 =	vadd.f32 v17, v22;
	v17 =	vld [tilespmem:s12+$0x0];
	v37 =	vmul.f32 v59, v14  }
0x1f7: {  	s19 =	sand.u32 $0x60, s21;
	s22 =	sand.u32 $0xFC00, s20;
	v32 =	vsub.f32 v32, v55;
	v22 =	vmul.f32 v25, v11;
	v25 =	vor.u32 $0x80, v16;
	v24 =	vld.idx.msk [tilespmem:v24+s15+$0x0], $0xffff;
	[tilespmem:s1+$0x280] =	vst v27  }
0x1f8: {  	s11 =	sand.u32 $0x1F80, s21;
	v63 =	vor.u32 $0x80, v13;
	s24 =	sadd.s32 $0x13300, s22;
	v48 =	vor.u32 $0x180, v7;
	s18 =	sor.u32 $0x10, s19;
	v31 =	vadd.f32 v37, v31;
	v45 =	vld.idx.msk [tilespmem:v60+s15+$0x0], $0xffff  }
0x1f9: {  	s0 =	sor.u32 s13, s24;
	v32 =	vmul.f32 v32, v3;
	v22 =	vadd.f32 v22, v30;
	v27 =	vor.u32 $0x80, v12;
	s1 =	sor.u32 s7, s24;
	s24 =	sor.u32 s11, s18;
	v29 =	vld.idx.msk [tilespmem:v29+s15+$0x0], $0xffff  }
0x1fa: {  	v26 =	vsub.f32 v26, v28;
	v30 =	vsub.f32 v36, v23;
	v58 =	vld [tilespmem:s24+$0x0];
	[tilespmem:s0+$0x0] =	vst v31;
	v31 =	vor.u32 $0x180, v8  }
0x1fb: {  	v51 =	vor.u32 $0x200, v9;
	v50 =	vor.u32 $0x200, v10;
	v46 =	vand.u32 $0x7F, v35;
	[tilespmem:s1+$0x0] =	vst v22;
	v47 =	vld.idx.msk [tilespmem:v61+s15+$0x0], $0xffff  }
0x1fc: {  	v22 =	vadd.f32 v32, v55;
	v26 =	vmul.f32 v26, v1;
	v49 =	vmul.f32 v30, v6;
	v25 =	vld.idx.msk [tilespmem:v25+s15+$0x0], $0xffff  }
0x1fd: {  	v19 =	vor.u32 $0x380, v19;
	v54 =	vor.u32 $0x280, v4;
	v34 =	vsub.f32 v62, v24;
	v30 =	vld.idx.msk [tilespmem:v63+s15+$0x0], $0xffff  }
0x1fe: {  	[tilespmem:s30+$0x100] =	vst v22;
	v26 =	vadd.f32 v26, v28;
	v28 =	vor.u32 $0x280, v5;
	v23 =	vadd.f32 v49, v23;
	v52 =	vld.idx.msk [tilespmem:v27+s15+$0x0], $0xffff  }
0x1ff: {  	s13 =	simm.s32 $0x1;
	v59 =	vor.u32 $0x380, v21;
	v55 =	vsub.f32 v29, v45;
	v27 =	vld.idx.msk [tilespmem:v31+s15+$0x0], $0xffff;
	v31 =	vmul.f32 v34, v0  }
0x200: {  	s22 =	sand.u32 $0x3, s13;
	v60 =	vor.u32 $0x100, v15;
	v22 =	vshll.u32 v35, $0x3;
	v35 =	vadd.s32 $0x1, v35;
	[tilespmem:s31+$0x180] =	vst v23;
	v23 =	vld.idx.msk [tilespmem:v48+s15+$0x0], $0xffff  }
0x201: {  	s8 =	sshll.u32 s22, $0x5;
	v29 =	vld.idx.msk [tilespmem:v50+s15+$0x0], $0xffff;
	v25 =	vsub.f32 v25, v47;
	v24 =	vadd.f32 v31, v24;
	v31 =	vmul.f32 v55, v2  }
0x202: {  	s7 =	sadd.s32 $0x100, s8;
	v61 =	vor.u32 $0x100, v16;
	vm14 =	vlt.s32 v35, $0x10FF;
	v22 =	vand.u32 $0xFFFFFC00, v22;
	[tilespmem:s28+$0x200] =	vst v26;
	v56 =	vld.idx.msk [tilespmem:v51+s15+$0x0], $0xffff  }
0x203: {  	s10 =	sor.u32 $0x300, s2;
	s11 =	sadd.s32 $0x10, s7;
	v53 =	vnsel vm14, $0x10FF, v35;
	v26 =	vld.idx.msk [tilespmem:v28+s15+$0x0], $0xffff;
	v21 =	vmul.f32 v25, v14;
	v25 =	vadd.f32 v31, v45  }
0x204: {  	s22 =	sor.u32 $0x300, s11;
	v57 =	vand.u32 $0x7F, v53;
	v63 =	vand.u32 $0x7F, v58;
	v34 =	vshll.u32 v53, $0x3;
	[tilespmem:s10+$0x13300] =	vst v24;
	v31 =	vld.idx.msk [tilespmem:v54+s15+$0x0], $0xffff  }
0x205: {  	v28 =	vsub.f32 v52, v30;
	v62 =	vadd.f32 v21, v47;
	v21 =	vld.idx.msk [tilespmem:v19+s15+$0x0], $0xffff;
	v19 =	vor.u32 $0x380, v18;
	[tilespmem:s22+$0x13300] =	vst v25  }
0x206: {  	v24 =	vand.u32 $0xFFFFFC00, v34;
	v34 =	vsub.f32 v23, v27;
	v18 =	vor.u32 v46, v22;
	v22 =	vld.idx.msk [tilespmem:v20+s15+$0x0], $0xffff  }
0x207: {  	v37 =	vmul.f32 v28, v11;
	v28 =	vsub.f32 v56, v29;
	v20 =	vadd.s32 $0x1, v58;
	[tilespmem:s0+$0x80] =	vst v62;
	v23 =	vld.idx.msk [tilespmem:v59+s15+$0x0], $0xffff  }
0x208: {  	s3 =	sor.u32 $0x380, s3;
	v39 =	vor.u32 v57, v24;
	v24 =	vshll.u32 v58, $0x3;
	vm15 =	vlt.s32 v20, $0x10FF;
	v36 =	vld.idx.msk [tilespmem:v60+s15+$0x0], $0xffff  }
0x209: {  	s2 =	sor.u32 $0x380, s2;
	[tilespmem:s3+$0x13300] =	vst v41;
	s3 =	simm.s32 $0xA0;
	v24 =	vand.u32 $0xFFFFFC00, v24;
	v38 =	vld.idx.msk [tilespmem:v61+s15+$0x0], $0xffff;
	v35 =	vmul.f32 v28, v6;
	v25 =	vnsel vm15, $0x10FF, v20  }
0x20a: {  	s8 =	sor.u32 $0x300, s7;
	v32 =	vor.u32 $0x280, v9;
	s10 =	sor.u32 $0x380, s7;
	s7 =	simm.s32 $0x300;
	v20 =	vor.u32 v63, v24;
	v28 =	vshll.u32 v25, $0x3;
	v24 =	vld.idx.msk [tilespmem:v19+s15+$0x0], $0xffff;
	v19 =	vmovc v39  }
.LBB2_7:
0x20b: {  	v40 =	vld [tilespmem:s3+$0x0];
	v25 =	vand.u32 $0x7F, v25;
	v28 =	vand.u32 $0xFFFFFC00, v28;
	v29 =	vadd.f32 v35, v29  }
0x20c: {  	v35 =	vld.idx.msk [tilespmem:v18+s15+$0x0], $0xffff;
	v25 =	vor.u32 v25, v28;
	v28 =	vadd.f32 v37, v30;
	v30 =	vmul.f32 v34, v3  }
0x20d: {  	v37 =	vor.u32 $0x100, v13;
	v23 =	vsub.f32 v23, v22;
	v34 =	vld.idx.msk [tilespmem:v39+s15+$0x0], $0xffff;
	[tilespmem:s31+$0x200] =	vst v29;
	v29 =	vsub.f32 v31, v26  }
0x20e: {  	[tilespmem:s1+$0x80] =	vst v28;
	v28 =	vor.u32 $0x100, v12;
	v27 =	vadd.f32 v30, v27;
	v30 =	vld.idx.msk [tilespmem:v33+s15+$0x0], $0xffff  }
0x20f: {  	v31 =	vsub.f32 v38, v36;
	v23 =	vmul.f32 v23, v2;
	v32 =	vld.idx.msk [tilespmem:v32+s15+$0x0], $0xffff;
	v29 =	vmul.f32 v29, v1  }
0x210: {  	v2 =	vmovc v6;
	v6 =	vmov v14;
	v24 =	vsub.f32 v24, v21;
	v33 =	vld.idx.msk [tilespmem:v20+s15+$0x0], $0xffff;
	[tilespmem:s30+$0x180] =	vst v27;
	v27 =	vor.u32 $0x200, v8  }
0x211: {  	v14 =	vmul.f32 v31, v6;
	v31 =	vor.u32 $0x180, v15;
	v22 =	vadd.f32 v23, v22;
	v38 =	vld.idx.msk [tilespmem:v25+s15+$0x0], $0xffff  }
0x212: {  	s11 =	sor.u32 $0x380, s11;
	v26 =	vadd.f32 v29, v26;
	v24 =	vmul.f32 v24, v0;
	v0 =	vmovc v1;
	v23 =	vld.idx.msk [tilespmem:v37+s15+$0x0], $0xffff;
	v37 =	vor.u32 $0x180, v16  }
0x213: {  	v1 =	vmovc v3;
	v3 =	vmov v11;
	v29 =	vadd.f32 v14, v36;
	v36 =	vor.u32 $0x200, v7;
	v28 =	vld.idx.msk [tilespmem:v28+s15+$0x0], $0xffff;
	[tilespmem:s11+$0x13300] =	vst v22  }
0x214: {  	v11 =	vmov v17;
	v22 =	vor.u32 $0x300, v5;
	v21 =	vadd.f32 v24, v21;
	v14 =	vld [tilespmem:s24+$0x1180];
	[tilespmem:s28+$0x280] =	vst v26;
	s28 =	smov.u32 s30;
	s30 =	smov.u32 s1  }
0x215: {  	v17 =	vsub.f32 v32, v30;
	v26 =	vor.u32 $0x300, v4;
	[tilespmem:s0+$0x100] =	vst v29;
	v24 =	vld.idx.msk [tilespmem:v27+s15+$0x0], $0xffff  }
0x216: {  	v27 =	vld.idx.msk [tilespmem:v31+s15+$0x0], $0xffff;
	[tilespmem:s2+$0x13300] =	vst v21;
	s2 =	smov.u32 s10  }
0x217: {  	v21 =	vsub.f32 v38, v33;
	v17 =	vmul.f32 v17, v2;
	v31 =	vor.u32 $0x300, v10;
	v29 =	vld.idx.msk [tilespmem:v37+s15+$0x0], $0xffff  }
0x218: {  	v32 =	vsub.f32 v34, v35;
	v34 =	vld.idx.msk [tilespmem:v36+s15+$0x0], $0xffff;
	v36 =	vor.u32 $0x300, v9  }
0x219: {  	s20 =	sadd.s32 $0x100, s20;
	v37 =	vor.u32 $0x80, v20;
	v30 =	vadd.f32 v17, v30;
	v21 =	vmul.f32 v21, v14;
	v22 =	vld.idx.msk [tilespmem:v22+s15+$0x0], $0xffff  }
0x21a: {  	s12 =	sadd.s32 $0x20, s12;
	s1 =	sand.u32 $0xFC00, s20;
	v32 =	vmul.f32 v32, v11;
	v38 =	vor.u32 $0x80, v25;
	v28 =	vsub.f32 v28, v23;
	v26 =	vld.idx.msk [tilespmem:v26+s15+$0x0], $0xffff  }
0x21b: {  	v39 =	vor.u32 $0x80, v18;
	s10 =	sadd.s32 $0x13300, s1;
	v17 =	vld [tilespmem:s12+$0x0];
	v21 =	vadd.f32 v21, v33;
	[tilespmem:s31+$0x280] =	vst v30;
	s31 =	smov.u32 s0  }
0x21c: {  	s1 =	sor.u32 s19, s10;
	v28 =	vmul.f32 v28, v3;
	v30 =	vadd.f32 v32, v35;
	v32 =	vor.u32 $0x80, v19;
	s0 =	sor.u32 s18, s10;
	v31 =	vld.idx.msk [tilespmem:v31+s15+$0x0], $0xffff  }
0x21d: {  	v33 =	vand.u32 $0x7F, v40;
	v29 =	vsub.f32 v29, v27;
	[tilespmem:s0+$0x0] =	vst v21;
	v21 =	vor.u32 $0x180, v13;
	v35 =	vld.idx.msk [tilespmem:v36+s15+$0x0], $0xffff  }
0x21e: {  	v23 =	vadd.f32 v28, v23;
	v28 =	vor.u32 $0x180, v12;
	v34 =	vsub.f32 v34, v24;
	[tilespmem:s1+$0x0] =	vst v30;
	v36 =	vld.idx.msk [tilespmem:v37+s15+$0x0], $0xffff  }
0x21f: {  	v41 =	vor.u32 $0x200, v15;
	v37 =	vshll.u32 v40, $0x3;
	v29 =	vmul.f32 v29, v6;
	v38 =	vld.idx.msk [tilespmem:v38+s15+$0x0], $0xffff  }
0x220: {  	v34 =	vmul.f32 v34, v1;
	v26 =	vsub.f32 v26, v22;
	v30 =	vld.idx.msk [tilespmem:v39+s15+$0x0], $0xffff;
	[tilespmem:s30+$0x100] =	vst v23;
	v23 =	vor.u32 $0x200, v16  }
0x221: {  	v37 =	vand.u32 $0xFFFFFC00, v37;
	v39 =	vadd.s32 $0x1, v40;
	v29 =	vadd.f32 v29, v27;
	v32 =	vld.idx.msk [tilespmem:v32+s15+$0x0], $0xffff  }
0x222: {  	s21 =	sadd.s32 $0x20, s21;
	v26 =	vmul.f32 v26, v0;
	v27 =	vld.idx.msk [tilespmem:v21+s15+$0x0], $0xffff;
	v21 =	vadd.f32 v34, v24;
	v24 =	vor.u32 $0x280, v8  }
0x223: {  	s13 =	sadd.s32 $0x1, s13;
	p2 =	slt.u32 s21, $0x1160;
	s19 =	sand.u32 $0x60, s21;
	vm0 =	vlt.s32 v39, $0x10FF;
	v34 =	vor.u32 $0x280, v7;
	v35 =	vsub.f32 v35, v31;
	v28 =	vld.idx.msk [tilespmem:v28+s15+$0x0], $0xffff;
	[tilespmem:s31+$0x180] =	vst v29  }
0x224: {  	s11 =	sand.u32 $0x3, s13;
	s18 =	sor.u32 $0x10, s19;
	s10 =	sand.u32 $0x1F80, s21;
	v39 =	vnsel vm0, $0x10FF, v39;
	v29 =	vld.idx.msk [tilespmem:v41+s15+$0x0], $0xffff;
	[tilespmem:s28+$0x200] =	vst v21;
	v21 =	vadd.f32 v26, v22;
	v22 =	vor.u32 $0x380, v5;
	v5 =	vmovc v8  }
0x225: {  	s24 =	sor.u32 s10, s18;
	s10 =	sshll.u32 s11, $0x5;
	v26 =	vsub.f32 v38, v36;
	v35 =	vmul.f32 v35, v2;
	v38 =	vor.u32 $0x380, v10;
	v8 =	vmovc v13;
	v23 =	vld.idx.msk [tilespmem:v23+s15+$0x0], $0xffff  }
0x226: {  	v42 =	vor.u32 $0x380, v9;
	v9 =	vmovc v16;
	s11 =	sadd.s32 s10, s29;
	s29 =	smov.u32 s7;
	s7 =	smov.u32 s20;
	v16 =	vmovc v25;
	v40 =	vand.u32 $0x7F, v39;
	v39 =	vshll.u32 v39, $0x3;
	v41 =	vld [tilespmem:s24+$0x0];
	[tilespmem:s8+$0x13300] =	vst v21  }
0x227: {  	s10 =	sor.u32 $0x380, s11;
	v25 =	vor.u32 $0x100, v20;
	v13 =	vmovc v18;
	v21 =	vmul.f32 v26, v14;
	s8 =	sor.u32 $0x300, s11;
	s11 =	sadd.s32 $0x10, s11;
	v26 =	vld.idx.msk [tilespmem:v24+s15+$0x0], $0xffff;
	v24 =	vadd.f32 v35, v31  }
0x228: {  	v43 =	vor.u32 $0x100, v16;
	v10 =	vmovc v15;
	v15 =	vmovc v20;
	v32 =	vsub.f32 v32, v30;
	v35 =	vand.u32 $0xFFFFFC00, v39;
	s22 =	sor.u32 $0x300, s11;
	v31 =	vld.idx.msk [tilespmem:v34+s15+$0x0], $0xffff  }
0x229: {  	v20 =	vadd.f32 v21, v36;
	v34 =	vsub.f32 v28, v27;
	[tilespmem:s22+$0x13300] =	vst v24;
	v21 =	vld.idx.msk [tilespmem:v22+s15+$0x0], $0xffff;
	v24 =	vor.u32 $0x380, v4  }
.Ltmp6:
0x22a: {  	v18 =	vor.u32 v33, v37;
	v39 =	vor.u32 v40, v35;
	v37 =	vmul.f32 v32, v11;
	v22 =	vld.idx.msk [tilespmem:v38+s15+$0x0], $0xffff;
	(pc) =	sbr.rel @p2 .LBB2_7-.Ltmp6, $4  }
0x22b: {  	v4 =	vmovc v7;
	v28 =	vadd.s32 $0x1, v41;
	v32 =	vshll.u32 v41, $0x3;
	[tilespmem:s0+$0x80] =	vst v20;
	v20 =	vsub.f32 v23, v29;
	v23 =	vld.idx.msk [tilespmem:v42+s15+$0x0], $0xffff  }
0x22c: {  	v7 =	vmovc v12;
	v12 =	vmovc v19;
	v40 =	vand.u32 $0x7F, v41;
	vm0 =	vlt.s32 v28, $0x10FF;
	v32 =	vand.u32 $0xFFFFFC00, v32;
	v36 =	vld.idx.msk [tilespmem:v25+s15+$0x0], $0xffff  }
0x22d: {  	v33 =	vor.u32 $0x280, v10;
	v19 =	vmovc v39;
	v25 =	vnsel vm0, $0x10FF, v28;
	v38 =	vld.idx.msk [tilespmem:v43+s15+$0x0], $0xffff;
	v35 =	vmul.f32 v20, v6  }
0x22e: {  	s3 =	sadd.s32 $0x20, s3;
	v20 =	vor.u32 v40, v32;
	v32 =	vor.u32 $0x280, v9;
	v28 =	vshll.u32 v25, $0x3;
	v24 =	vld.idx.msk [tilespmem:v24+s15+$0x0], $0xffff  }
0x22f: {  	_ = 	snop  }
0x230: {  	v25 =	vand.u32 $0x7F, v25;
	v28 =	vand.u32 $0xFFFFFC00, v28  }
0x231: {  	v28 =	vor.u32 v25, v28;
	_ =	sdelay $0x1  }
0x232: {  	v42 =	vld.idx.msk [tilespmem:v18+s15+$0x0], $0xffff  }
0x233: {  	v39 =	vld.idx.msk [tilespmem:v39+s15+$0x0], $0xffff  }
0x234: {  	v40 =	vld.idx.msk [tilespmem:v20+s15+$0x0], $0xffff  }
0x235: {  	v41 =	vld.idx.msk [tilespmem:v28+s15+$0x0], $0xffff;
	_ =	sdelay $0x1  }
0x236: {  	v25 =	vld [tilespmem:s24+$0x1180]  }
0x237: {  	v39 =	vsub.f32 v39, v42;
	_ =	sdelay $0x1  }
0x238: {  	s12 =	sadd.s32 $0x100, s20;
	v50 =	vor.u32 $0x80, v18;
	v39 =	vmul.f32 v39, v17;
	v41 =	vsub.f32 v41, v40  }
0x239: {  	v45 =	vor.u32 $0x80, v19;
	s3 =	sand.u32 $0xFC00, s12  }
0x23a: {  	v43 =	vor.u32 $0x80, v20;
	s3 =	sadd.s32 $0x13300, s3;
	v39 =	vadd.f32 v39, v42;
	v41 =	vmul.f32 v41, v25  }
0x23b: {  	v44 =	vor.u32 $0x80, v28;
	s18 =	sor.u32 s18, s3;
	s3 =	sor.u32 s19, s3  }
0x23c: {  	[tilespmem:s3+$0x0] =	vst v39;
	v40 =	vadd.f32 v41, v40  }
0x23d: {  	v39 =	vld.idx.msk [tilespmem:v50+s15+$0x0], $0xffff  }
0x23e: {  	v52 =	vld.idx.msk [tilespmem:v45+s15+$0x0], $0xffff;
	[tilespmem:s18+$0x0] =	vst v40  }
0x23f: {  	v40 =	vld.idx.msk [tilespmem:v43+s15+$0x0], $0xffff  }
0x240: {  	v51 =	vld.idx.msk [tilespmem:v44+s15+$0x0], $0xffff;
	_ =	sdelay $0x1  }
0x241: {  	v53 =	vor.u32 $0x100, v13  }
0x242: {  	v54 =	vor.u32 $0x100, v12;
	v41 =	vsub.f32 v52, v39  }
0x243: {  	v30 =	vadd.f32 v37, v30  }
0x244: {  	v61 =	vor.u32 $0x100, v18;
	v60 =	vmul.f32 v41, v17;
	v42 =	vsub.f32 v51, v40  }
0x245: {  	v63 =	vor.u32 $0x100, v19;
	[tilespmem:s1+$0x80] =	vst v30  }
0x246: {  	v56 =	vor.u32 $0x100, v20;
	v59 =	vld.idx.msk [tilespmem:v53+s15+$0x0], $0xffff;
	v39 =	vadd.f32 v60, v39;
	v55 =	vmul.f32 v42, v25  }
0x247: {  	v57 =	vor.u32 $0x100, v28;
	v62 =	vld.idx.msk [tilespmem:v54+s15+$0x0], $0xffff  }
0x248: {  	[tilespmem:s3+$0x80] =	vst v39;
	v58 =	vadd.f32 v55, v40  }
0x249: {  	v38 =	vsub.f32 v38, v36;
	v41 =	vld.idx.msk [tilespmem:v61+s15+$0x0], $0xffff  }
0x24a: {  	v30 =	vld.idx.msk [tilespmem:v63+s15+$0x0], $0xffff;
	[tilespmem:s18+$0x80] =	vst v58  }
0x24b: {  	v49 =	vor.u32 $0x180, v15;
	v38 =	vmul.f32 v38, v14;
	v42 =	vld.idx.msk [tilespmem:v56+s15+$0x0], $0xffff  }
0x24c: {  	v50 =	vor.u32 $0x180, v16;
	v43 =	vsub.f32 v62, v59;
	v48 =	vld.idx.msk [tilespmem:v57+s15+$0x0], $0xffff  }
0x24d: {  	v51 =	vadd.f32 v38, v36  }
0x24e: {  	v53 =	vor.u32 $0x180, v13;
	v52 =	vmul.f32 v43, v11  }
0x24f: {  	v54 =	vor.u32 $0x180, v12;
	[tilespmem:s0+$0x100] =	vst v51;
	v30 =	vsub.f32 v30, v41  }
0x250: {  	v37 =	vadd.f32 v52, v59;
	v39 =	vld.idx.msk [tilespmem:v49+s15+$0x0], $0xffff  }
0x251: {  	v61 =	vor.u32 $0x180, v19;
	v44 =	vld.idx.msk [tilespmem:v50+s15+$0x0], $0xffff;
	v30 =	vmul.f32 v30, v17;
	v40 =	vsub.f32 v48, v42  }
0x252: {  	v60 =	vor.u32 $0x180, v18;
	[tilespmem:s1+$0x100] =	vst v37  }
0x253: {  	v59 =	vld.idx.msk [tilespmem:v53+s15+$0x0], $0xffff;
	v56 =	vor.u32 $0x180, v20;
	v30 =	vadd.f32 v30, v41;
	v55 =	vmul.f32 v40, v25  }
0x254: {  	v36 =	vld.idx.msk [tilespmem:v54+s15+$0x0], $0xffff;
	v57 =	vor.u32 $0x180, v28  }
0x255: {  	[tilespmem:s3+$0x100] =	vst v30;
	v58 =	vadd.f32 v55, v42  }
0x256: {  	v34 =	vmul.f32 v34, v3;
	v62 =	vor.u32 $0x200, v8;
	v63 =	vsub.f32 v44, v39;
	v37 =	vld.idx.msk [tilespmem:v61+s15+$0x0], $0xffff  }
0x257: {  	v49 =	vor.u32 $0x200, v7;
	v42 =	vld.idx.msk [tilespmem:v60+s15+$0x0], $0xffff;
	[tilespmem:s18+$0x100] =	vst v58  }
0x258: {  	v27 =	vadd.f32 v34, v27;
	v51 =	vor.u32 $0x200, v15;
	v50 =	vmul.f32 v63, v14;
	v40 =	vld.idx.msk [tilespmem:v56+s15+$0x0], $0xffff  }
0x259: {  	v52 =	vor.u32 $0x200, v16;
	v36 =	vsub.f32 v36, v59;
	v48 =	vld.idx.msk [tilespmem:v57+s15+$0x0], $0xffff  }
0x25a: {  	[tilespmem:s30+$0x180] =	vst v27;
	v53 =	vadd.f32 v50, v39  }
0x25b: {  	v54 =	vld.idx.msk [tilespmem:v62+s15+$0x0], $0xffff;
	v36 =	vmul.f32 v36, v11;
	v55 =	vor.u32 $0x200, v13  }
0x25c: {  	[tilespmem:s0+$0x180] =	vst v53;
	v58 =	vor.u32 $0x200, v12;
	v57 =	vld.idx.msk [tilespmem:v49+s15+$0x0], $0xffff;
	v37 =	vsub.f32 v37, v42  }
0x25d: {  	v36 =	vadd.f32 v36, v59;
	v34 =	vld.idx.msk [tilespmem:v51+s15+$0x0], $0xffff  }
0x25e: {  	v46 =	vor.u32 $0x200, v18;
	v43 =	vld.idx.msk [tilespmem:v52+s15+$0x0], $0xffff;
	v37 =	vmul.f32 v37, v17;
	v56 =	vsub.f32 v48, v40  }
0x25f: {  	v29 =	vadd.f32 v35, v29;
	[tilespmem:s1+$0x180] =	vst v36;
	v48 =	vor.u32 $0x200, v19  }
0x260: {  	v60 =	vor.u32 $0x200, v20;
	v63 =	vld.idx.msk [tilespmem:v55+s15+$0x0], $0xffff;
	v37 =	vadd.f32 v37, v42;
	v59 =	vmul.f32 v56, v25  }
0x261: {  	[tilespmem:s31+$0x200] =	vst v29;
	v61 =	vor.u32 $0x200, v28;
	v27 =	vld.idx.msk [tilespmem:v58+s15+$0x0], $0xffff;
	v47 =	vsub.f32 v57, v54  }
0x262: {  	v33 =	vld.idx.msk [tilespmem:v33+s15+$0x0], $0xffff;
	[tilespmem:s3+$0x180] =	vst v37;
	v62 =	vadd.f32 v59, v40  }
0x263: {  	v50 =	vor.u32 $0x280, v8;
	v51 =	vsub.f32 v43, v34;
	v49 =	vmul.f32 v47, v3;
	v39 =	vld.idx.msk [tilespmem:v46+s15+$0x0], $0xffff  }
0x264: {  	v31 =	vsub.f32 v31, v26;
	v53 =	vor.u32 $0x280, v7;
	v36 =	vld.idx.msk [tilespmem:v48+s15+$0x0], $0xffff;
	[tilespmem:s18+$0x180] =	vst v62  }
0x265: {  	v55 =	vor.u32 $0x280, v15;
	v29 =	vadd.f32 v49, v54;
	v54 =	vmul.f32 v51, v14;
	v40 =	vld.idx.msk [tilespmem:v60+s15+$0x0], $0xffff  }
0x266: {  	v56 =	vor.u32 $0x280, v16;
	v27 =	vsub.f32 v27, v63;
	v52 =	vld.idx.msk [tilespmem:v61+s15+$0x0], $0xffff  }
0x267: {  	v31 =	vmul.f32 v31, v1;
	v32 =	vld.idx.msk [tilespmem:v32+s15+$0x0], $0xffff;
	v57 =	vor.u32 $0x300, v5;
	[tilespmem:s30+$0x200] =	vst v29;
	v30 =	vadd.f32 v54, v34  }
0x268: {  	v59 =	vor.u32 $0x280, v13;
	v27 =	vmul.f32 v27, v11;
	v58 =	vld.idx.msk [tilespmem:v50+s15+$0x0], $0xffff  }
0x269: {  	v62 =	vor.u32 $0x280, v12;
	v60 =	vadd.f32 v31, v26;
	v61 =	vld.idx.msk [tilespmem:v53+s15+$0x0], $0xffff;
	[tilespmem:s0+$0x200] =	vst v30;
	v36 =	vsub.f32 v36, v39  }
0x26a: {  	v48 =	vor.u32 $0x300, v4;
	v27 =	vadd.f32 v27, v63;
	v37 =	vld.idx.msk [tilespmem:v55+s15+$0x0], $0xffff  }
0x26b: {  	v50 =	vor.u32 $0x280, v18;
	[tilespmem:s28+$0x280] =	vst v60;
	v46 =	vld.idx.msk [tilespmem:v56+s15+$0x0], $0xffff;
	v42 =	vsub.f32 v52, v40;
	v36 =	vmul.f32 v36, v17  }
0x26c: {  	v32 =	vsub.f32 v32, v33;
	v51 =	vor.u32 $0x280, v19;
	v29 =	vld.idx.msk [tilespmem:v57+s15+$0x0], $0xffff;
	[tilespmem:s1+$0x200] =	vst v27  }
0x26d: {  	v45 =	vor.u32 $0x280, v20;
	v35 =	vld.idx.msk [tilespmem:v59+s15+$0x0], $0xffff;
	v63 =	vmul.f32 v42, v25;
	v36 =	vadd.f32 v36, v39  }
0x26e: {  	v32 =	vmul.f32 v32, v6;
	v47 =	vor.u32 $0x280, v28;
	v30 =	vld.idx.msk [tilespmem:v62+s15+$0x0], $0xffff  }
0x26f: {  	v53 =	vor.u32 $0x300, v9;
	v54 =	vld.idx.msk [tilespmem:v48+s15+$0x0], $0xffff;
	v31 =	vsub.f32 v61, v58;
	v49 =	vadd.f32 v63, v40;
	[tilespmem:s3+$0x200] =	vst v36  }
0x270: {  	v32 =	vadd.f32 v32, v33;
	v52 =	vor.u32 $0x300, v10;
	v38 =	vld.idx.msk [tilespmem:v50+s15+$0x0], $0xffff  }
0x271: {  	v55 =	vor.u32 $0x300, v8;
	v26 =	vsub.f32 v46, v37;
	v31 =	vmul.f32 v31, v3;
	v27 =	vld.idx.msk [tilespmem:v51+s15+$0x0], $0xffff;
	[tilespmem:s18+$0x200] =	vst v49  }
0x272: {  	[tilespmem:s31+$0x280] =	vst v32;
	v56 =	vor.u32 $0x300, v7;
	v57 =	vor.u32 $0x300, v15;
	v42 =	vld.idx.msk [tilespmem:v45+s15+$0x0], $0xffff  }
0x273: {  	v26 =	vmul.f32 v26, v14;
	v31 =	vadd.f32 v31, v58;
	v30 =	vsub.f32 v30, v35;
	v41 =	vld.idx.msk [tilespmem:v47+s15+$0x0], $0xffff  }
0x274: {  	v59 =	vld.idx.msk [tilespmem:v53+s15+$0x0], $0xffff;
	v33 =	vsub.f32 v54, v29;
	v58 =	vor.u32 $0x300, v16  }
0x275: {  	v60 =	vor.u32 $0x300, v13;
	v34 =	vld.idx.msk [tilespmem:v52+s15+$0x0], $0xffff;
	v26 =	vadd.f32 v26, v37;
	[tilespmem:s30+$0x280] =	vst v31;
	v30 =	vmul.f32 v30, v11  }
0x276: {  	v63 =	vor.u32 $0x300, v12;
	v62 =	vld.idx.msk [tilespmem:v55+s15+$0x0], $0xffff;
	v27 =	vsub.f32 v27, v38  }
0x277: {  	v48 =	vmul.f32 v33, v1;
	v49 =	vor.u32 $0x380, v5;
	v36 =	vld.idx.msk [tilespmem:v56+s15+$0x0], $0xffff;
	[tilespmem:s0+$0x280] =	vst v26;
	v44 =	vadd.f32 v30, v35  }
0x278: {  	v51 =	vor.u32 $0x300, v18;
	v32 =	vld.idx.msk [tilespmem:v57+s15+$0x0], $0xffff;
	v61 =	vsub.f32 v41, v42;
	v27 =	vmul.f32 v27, v17  }
0x279: {  	v53 =	vor.u32 $0x300, v19;
	v26 =	vadd.f32 v48, v29;
	v50 =	vld.idx.msk [tilespmem:v58+s15+$0x0], $0xffff;
	[tilespmem:s1+$0x280] =	vst v44  }
0x27a: {  	v46 =	vor.u32 $0x300, v20;
	v31 =	vld.idx.msk [tilespmem:v60+s15+$0x0], $0xffff;
	v45 =	vmul.f32 v61, v25;
	v27 =	vadd.f32 v27, v38  }
0x27b: {  	s21 =	sadd.s32 $0x1, s13;
	v47 =	vor.u32 $0x300, v28;
	v37 =	vsub.f32 v59, v34;
	[tilespmem:s8+$0x13300] =	vst v26;
	v52 =	vld.idx.msk [tilespmem:v63+s15+$0x0], $0xffff  }
0x27c: {  	s22 =	sand.u32 $0x3, s21;
	v58 =	vor.u32 $0x380, v4;
	v5 =	vld.idx.msk [tilespmem:v49+s15+$0x0], $0xffff;
	v30 =	vadd.f32 v45, v42;
	[tilespmem:s3+$0x280] =	vst v27  }
0x27d: {  	v54 =	vor.u32 $0x380, v10;
	s0 =	sshll.u32 s22, $0x5;
	v37 =	vmul.f32 v37, v6;
	v56 =	vsub.f32 v36, v62;
	v27 =	vld.idx.msk [tilespmem:v51+s15+$0x0], $0xffff  }
0x27e: {  	s13 =	sadd.s32 $0x1, s21;
	v55 =	vor.u32 $0x380, v9;
	s0 =	sadd.s32 s0, s29;
	v33 =	vsub.f32 v50, v32;
	[tilespmem:s18+$0x280] =	vst v30;
	v30 =	vld.idx.msk [tilespmem:v53+s15+$0x0], $0xffff  }
0x27f: {  	s28 =	sand.u32 $0x3, s13;
	s8 =	sadd.s32 $0x10, s0;
	v59 =	vor.u32 $0x380, v8;
	v34 =	vadd.f32 v37, v34;
	v26 =	vmul.f32 v56, v3;
	v35 =	vld.idx.msk [tilespmem:v46+s15+$0x0], $0xffff  }
0x280: {  	s29 =	sshll.u32 s28, $0x5;
	s24 =	sor.u32 $0x300, s8;
	v60 =	vor.u32 $0x380, v15;
	v33 =	vmul.f32 v33, v14;
	v57 =	vld.idx.msk [tilespmem:v47+s15+$0x0], $0xffff  }
0x281: {  	s1 =	sadd.s32 s29, s7;
	v61 =	vor.u32 $0x380, v16;
	v4 =	vld.idx.msk [tilespmem:v58+s15+$0x0], $0xffff;
	[tilespmem:s24+$0x13300] =	vst v34;
	v26 =	vadd.f32 v26, v62;
	v29 =	vsub.f32 v52, v31  }
0x282: {  	s30 =	sor.u32 $0x300, s0;
	s31 =	sadd.s32 $0x10, s1;
	v62 =	vor.u32 $0x380, v7;
	v10 =	vld.idx.msk [tilespmem:v54+s15+$0x0], $0xffff;
	v32 =	vadd.f32 v33, v32  }
0x283: {  	v37 =	vor.u32 $0x380, v13;
	v9 =	vld.idx.msk [tilespmem:v55+s15+$0x0], $0xffff;
	[tilespmem:s30+$0x13300] =	vst v26;
	s18 =	sor.u32 $0x300, s31;
	v36 =	vmul.f32 v29, v11;
	v30 =	vsub.f32 v30, v27  }
0x284: {  	s13 =	sadd.s32 $0x1, s13;
	v40 =	vor.u32 $0x380, v12;
	v42 =	vor.u32 $0x380, v18;
	v8 =	vld.idx.msk [tilespmem:v59+s15+$0x0], $0xffff;
	[tilespmem:s18+$0x13300] =	vst v32  }
0x285: {  	s13 =	sand.u32 $0x3, s13;
	v26 =	vadd.f32 v36, v31;
	v15 =	vld.idx.msk [tilespmem:v60+s15+$0x0], $0xffff;
	v63 =	vsub.f32 v57, v35;
	v41 =	vmul.f32 v30, v17  }
0x286: {  	v43 =	vor.u32 $0x380, v19;
	s19 =	sshll.u32 s13, $0x5;
	s20 =	sor.u32 $0x300, s1;
	v16 =	vld.idx.msk [tilespmem:v61+s15+$0x0], $0xffff  }
0x287: {  	v39 =	vor.u32 $0x380, v20;
	s7 =	sadd.s32 s19, s12;
	v7 =	vld.idx.msk [tilespmem:v62+s15+$0x0], $0xffff;
	[tilespmem:s20+$0x13300] =	vst v26;
	v38 =	vmul.f32 v63, v25;
	v26 =	vadd.f32 v41, v27  }
0x288: {  	v28 =	vor.u32 $0x380, v28;
	s24 =	sor.u32 $0x300, s7;
	v13 =	vld.idx.msk [tilespmem:v37+s15+$0x0], $0xffff  }
0x289: {  	s21 =	sadd.s32 $0x10, s7;
	v12 =	vld.idx.msk [tilespmem:v40+s15+$0x0], $0xffff;
	v29 =	vadd.f32 v38, v35;
	[tilespmem:s24+$0x13300] =	vst v26  }
0x28a: {  	v23 =	vsub.f32 v23, v22;
	s22 =	sor.u32 $0x300, s21;
	v18 =	vld.idx.msk [tilespmem:v42+s15+$0x0], $0xffff  }
0x28b: {  	v24 =	vsub.f32 v24, v21;
	[tilespmem:s22+$0x13300] =	vst v29;
	v19 =	vld.idx.msk [tilespmem:v43+s15+$0x0], $0xffff  }
0x28c: {  	v2 =	vmul.f32 v23, v2;
	v4 =	vsub.f32 v4, v5;
	v20 =	vld.idx.msk [tilespmem:v39+s15+$0x0], $0xffff  }
0x28d: {  	v0 =	vmul.f32 v24, v0;
	v9 =	vsub.f32 v9, v10;
	v44 =	vld.idx.msk [tilespmem:v28+s15+$0x0], $0xffff  }
0x28e: {  	v2 =	vadd.f32 v2, v22;
	v47 =	vmul.f32 v4, v1;
	v46 =	vsub.f32 v16, v15  }
0x28f: {  	s11 =	sor.u32 $0x380, s11;
	v0 =	vadd.f32 v0, v21;
	v45 =	vmul.f32 v9, v6;
	v48 =	vsub.f32 v7, v8  }
0x290: {  	[tilespmem:s11+$0x13300] =	vst v2;
	v52 =	vadd.f32 v47, v5;
	v50 =	vmul.f32 v46, v14;
	v54 =	vsub.f32 v12, v13  }
0x291: {  	[tilespmem:s2+$0x13300] =	vst v0;
	v49 =	vadd.f32 v45, v10;
	v53 =	vmul.f32 v48, v3;
	v57 =	vsub.f32 v19, v18  }
0x292: {  	s28 =	sor.u32 $0x380, s8;
	[tilespmem:s10+$0x13300] =	vst v52;
	v55 =	vadd.f32 v50, v15;
	v59 =	vmul.f32 v54, v11;
	v51 =	vsub.f32 v44, v20  }
0x293: {  	s29 =	sor.u32 $0x380, s31;
	[tilespmem:s28+$0x13300] =	vst v49;
	v58 =	vadd.f32 v53, v8;
	v61 =	vmul.f32 v57, v17  }
.Ltmp7:
0x294: {  	s0 =	sor.u32 $0x380, s0;
	[tilespmem:s29+$0x13300] =	vst v55;
	v62 =	vadd.f32 v59, v13;
	v56 =	vmul.f32 v51, v25;
	(pc) =	sbr.rel @p1 .LBB2_11-.Ltmp7, $4  }
0x295: {  	s1 =	sor.u32 $0x380, s1;
	[tilespmem:s0+$0x13300] =	vst v58;
	v63 =	vadd.f32 v61, v18  }
0x296: {  	s31 =	sor.u32 $0x380, s7;
	[tilespmem:s1+$0x13300] =	vst v62;
	v60 =	vadd.f32 v56, v20  }
0x297: {  	s30 =	sor.u32 $0x380, s21;
	[tilespmem:s31+$0x13300] =	vst v63  }
0x298: {  	s0 =	smul.u32 $0x116C00, s26;
	[tilespmem:s30+$0x13300] =	vst v60  }
0x299: {  	s25 =	sadd.s32 $0x1, s25  }
0x29a: {  	s0 =	sshrl.u32 s0, $0x3;
	p2 =	seq.s32 s25, $0x8  }
.Ltmp8:
0x29b: {  	s0 =	sadd.s32 s5, s0;
	(pc) =	sbr.rel @!p2 .LBB2_4-.Ltmp8, $4  }
0x29c: {  	s1 =	simm.s32 $0x13300;
	s30 =	sshll.u32 s26, $0x7;
	s0 =	sadd.s32 $0x21E80, s0  }
0x29d: {  	[hbm4b:s0+s4] =	stream.linear.scatter [tilespmem:s1], [sflag:$0x3], $0x7400, $0x38;
	[tilespmem:$0x1BF00] =	vst v63  }
0x29e: {  	s31 =	simm.s32 $0x1A700;
	s0 =	sadd.s32 s6, s30  }
0x29f: {  	[hbm4b:s0+s4] =	stream.linear.scatter [tilespmem:s31], [sflag:$0x3], $0x400, $0x38;
	[tilespmem:$0x1BF00] =	vst v63  }
0x2a0: {  	s0 =	simm.s32 $0x3  }
0x2a1: {  	_ =	swait.ge [sflag:s0], $0x7400  }
.Ltmp9:
0x2a2: {  	[sflag:s0] =	ssyncset.done $0x0;
	(pc) =	sbr.rel .LBB2_13-.Ltmp9, $4  }
0x2a3: {  	[sflag:s0] =	ssyncadd.s32 $0xFFFF8C00  }
0x2a4: {  	_ =	swait.ge [sflag:s0], $0x400  }
0x2a5: {  	[sflag:s0] =	ssyncset.done $0x0  }
0x2a6: {  	s1 =	rddreg [dreg:$0x9];
	[sflag:s0] =	ssyncadd.s32 $0xFFFFFC00  }
.LBB2_14:
0x2a7: {  	_ =	sfence.sel $0x180000  }
0x2a8: {  	[bflag:$0x0] =	sbarrier.arrive $0xFFFF  }
0x2a9: {  	_ =	strace $0x90000047  }
0x2aa: {  	s0 =	stileid.u32;
	[bflag:$0x2] =	sbarrier.arrive $0xFFFF  }
0x2ab: {  	p0 =	sne.s32 s0, $0x0;
	s0 =	rddreg [dreg:$0x3]  }
0x2ac: {  	s0 =	sadd.s32 @!p0 $0x100000, s0  }
0x2ad: {  	[sflag:s0] =	ssyncadd.tile.s32 @!p0 $0x1;
	_ =	shalt  }
.Lfunc_end2:
_tile_overlayer_lowered:
.L_overlay_start_2:
0x2ae: {  	(tag) =	ssettag $0x2  }
0x2af: {  	s0 =	rddreg [dreg:$0x0];
	s2 =	stileid.u32  }
0x2b0: {  	s1 =	rddreg [dreg:$0x1];
	p0 =	sne.s32 s2, $0x0  }
0x2b1: {  	s3 =	rddreg [dreg:$0x2];
	[bflag:$0x3] =	sbarrier.arrive $0xFFFF;
	s2 =	simm.s32 @!p0 $0x1C04  }
0x2b2: {  	[timem:s3], [sflag:s2] =	dma.local @!p0 [hbm:s0], s1  }
0x2b3: {  	s0 =	simm.s32 @!p0 $0x4  }
0x2b4: {  	_ =	swait.ge @!p0 [sflag:s0], s1  }
0x2b5: {  	s1 =	ssub.s32 @!p0 $0x0, s1;
	[sflag:s0] =	ssyncset.done @!p0 $0x0  }
0x2b6: {  	[sflag:s0] =	ssyncadd.s32 @!p0 s1  }
0x2b7: {  	[bflag:$0x3] =	sbarrier.arrive $0xFFFF  }
0x2b8: {  	_ =	shalt  }

// kernel: sparse-core-data-format-call.cloned.1.call-start
scs
called_computation_lowered:
.L_overlay_start_0:
0x0: {  	s2 =	sld [smem:$0x3FD9]  }
0x1: {  	s3 =	sld [smem:$0x3FFE];
	_ =	sdelay $0x1  }
0x2: {  	s1 =	srdreg.scid  }
0x3: {  	s0 =	sand.u32 $0x1, s1  }
0x4: {  	s18 =	sshll.u32 s0, $0xA;
	s2 =	sadd.s32 s3, s2  }
0x5: {  	s2 =	sadd.s32 s2, s18  }
0x6: {  	[smem:$0x3FC5] =	sst s2  }
0x7: {  	_ = 	snop  }
0x8: {  	s2 =	sld [smem:$0x3FD0];
	(tm) =	ssettm $0x1  }
0x9: {  	s19 =	sld [smem:$0x3FFB];
	_ =	sdelay $0x3  }
0xa: {  	_ =	strace s19  }
0xb: {  	s3 =	sld [smem:$0x3FFC];
	_ =	sdelay $0x3  }
0xc: {  	_ =	strace s3  }
0xd: {  	s3 =	sld [smem:$0x3FFD];
	_ =	sdelay $0x3  }
0xe: {  	_ =	strace s3  }
0xf: {  	_ =	strace $0x8FFFFFFF  }
0x10: {  	s20 =	sld [smem:$0x3FDB];
	_ =	sdelay $0x1  }
0x11: {  	s4 =	simm.s32 $_scs_section_size  }
0x12: {  	s5 =	simm.s32 $_size__tile_overlayer_lowered;
	s6 =	simm.s32 $_tile_overlayer_lowered  }
0x13: {  	s23 =	simm.s32 $0x1BFF;
	s22 =	sshll.u32 s6, $0x1;
	s3 =	sadd.s32 s4, s20  }
0x14: {  	s7 =	simm.s32 $0x0;
	s21 =	sshll.u32 s5, $0x1;
	s5 =	sadd.s32 s22, s3  }
0x15: {  	[timem:s7], [sflag:s23] =	dma.local [hbm:s5], s21  }
0x16: {  	_ =	swait.ge [sflag:s23], s21  }
0x17: {  	s4 =	ssub.s32 $0x0, s21;
	[sflag:s23] =	ssyncset.done $0x0  }
0x18: {  	[sflag:s23] =	ssyncadd.s32 s4;
	_ =	sdelay $0x1  }
0x19: {  	s24 =	simm.s32 $0x1B8B  }
0x1a: {  	_ =	swait.ge [sflag:s24], $0x1  }
0x1b: {  	[sflag:s24] =	ssyncset.done $0x0  }
0x1c: {  	s26 =	simm.s32 $0x1B8E;
	s25 =	sld [smem:$0x3FFE];
	[sflag:s24] =	ssyncadd.s32 $0xFFFFFFFF  }
0x1d: {  	s27 =	simm.s32 $execute0_lowered;
	[smem:$0x3FD2] =	sst s26  }
0x1e: {  	s5 =	sshll.u32 s27, $0x1;
	_ =	strace $0x80000049;
	[dreg:$0x1] =	wrdreg $0xFFFFFFFF  }
0x1f: {  	s28 =	simm.s32 $_size_execute0_lowered;
	s3 =	sadd.s32 s3, s5;
	[dreg:$0x0] =	wrdreg $0x0  }
0x20: {  	s5 =	sshll.u32 s28, $0x1;
	[dreg:$0x2] =	wrdreg s3  }
0x21: {  	[dreg:$0x3] =	wrdreg s5  }
0x22: {  	[dreg:$0x4] =	wrdreg $0xC0  }
0x23: {  	_ =	task [dreg:s7], $0x5FFFF  }
0x24: {  	[dreg:$0x1] =	wrdreg $0xFFFFFFFF  }
0x25: {  	[dreg:$0x0] =	wrdreg $0x60  }
0x26: {  	[dreg:$0x2] =	wrdreg s25  }
0x27: {  	[dreg:$0x3] =	wrdreg s2  }
0x28: {  	[dreg:$0x4] =	wrdreg $0x9  }
0x29: {  	_ =	task.clear_ibuf [dreg:s7], $0x5FFFF;
	_ =	strace $0x90000049  }
0x2a: {  	s29 =	simm.s32 $0x9;
	_ =	strace $0x8000004B  }
0x2b: {  	_ =	swait.ge [sflag:s29], $0x1  }
0x2c: {  	[sflag:s29] =	ssyncadd.s32 $0xFFFFFFFF  }
0x2d: {  	_ =	strace $0x9000004B  }
0x2e: {  	_ =	sfence  }
0x2f: {  	s30 =	sld [smem:$0x0];
	_ =	sdelay $0x2  }
0x30: {  	s31 =	sshll.u32 s1, $0xD;
	s1 =	sshrl.u32 s1, $0x2  }
0x31: {  	s3 =	sand.u32 $0x4000, s31;
	s1 =	sadd.s32 s1, s30  }
0x32: {  	s0 =	sor.u32 s3, s0;
	s1 =	sshll.u32 s1, $0x11  }
0x33: {  	s0 =	sor.u32 s1, s0  }
0x34: {  	s0 =	sadd.s32 $0x8F2B, s0  }
0x35: {  	[sflag:s0] =	ssyncadd.remote.s32 $0x1  }
0x36: {  	_ =	sfence.sel $0xFFFF  }
0x37: {  	[dreg:$0x0] =	wrdreg $0xFFFFFFFF;
	(pc) =	sbr.abs _section_cstart, $3  }
0x38: {  	[dreg:$0x1] =	wrdreg $0xFFFFFFFF  }
0x39: {  	_ =	task.clear_ibuf [dreg:s7], $0x2FFFF;
	_ =	strace $0x9FFFFFFF  }
0x3a: {  	(tm) =	ssettm $0x7FFFFFFF  }
0x3b: {  	_ =	shalt  }
tec
execute0_lowered:
.L_overlay_start_1:
0x0: {  	(tag) =	ssettag $0x1  }
0x1: {  	s4 =	rddreg [dreg:$0x0]  }
0x2: {  	s0 =	srdreg.scid;
	s2 =	rddreg [dreg:$0x1]  }
0x3: {  	s1 =	stileid.u32;
	s5 =	simm.s32 $0x1;
	s7 =	simm.s32 $0x2  }
0x4: {  	s14 =	simm.s32 $0x0;
	p0 =	por $0x0, $0x0;
	s0 =	sshll.u32 s0, $0x4  }
0x5: {  	s13 =	simm.s32 $0x0;
	s8 =	simm.s32 $0x0;
	s3 =	sand.u32 $0x10, s0  }
.Ltmp0:
0x6: {  	s9 =	simm.s32 $0x0;
	s3 =	sor.u32 s1, s3;
	(pc) =	sbr.rel .LBB1_1-.Ltmp0, $4  }
0x7: {  	s11 =	simm.s32 $0x0;
	s12 =	simm.s32 $0x0;
	s3 =	sshll.u32 s3, $0x7  }
0x8: {  	s0 =	rddreg [dreg:$0x2];
	_ =	strace $0x8000004A;
	s6 =	ssub.s32 $0x22D00, s3  }
0x9: {  	s4 =	sadd.s32 $0x5200, s4;
	[sflag:s5] =	ssyncpa.u1 $0x0;
	s6 =	sshrl.u32 s6, $0xC  }
0xa: {  	[sflag:s7] =	ssyncpa.u1 $0x0;
	s10 =	smov.u32 s3;
	s7 =	sadd.s32 $0x2, s6  }
.LBB1_5:
0xb: {  	p1 =	slt.u32 s12, $0x2  }
0xc: {  	p2 =	sgt.s32 @!p1 s14, $0x22CC8  }
0xd: {  	s15 =	smov.u32 s14;
	s16 =	sshra.s32 @!p1 s14, $0x1F;
	p2 =	por !p2, p1  }
0xe: {  	s14 =	sand.u32 @!p1 s16, s14;
	s15 =	simm.s32 @p2 $0x22CC8  }
0xf: {  	s14 =	ssub.s32 @!p1 s15, s14;
	s15 =	ssub.s32 @!p1 $0x0, s13  }
0x10: {  	s17 =	smov.u32 s11;
	s16 =	sadd.s32 @!p1 $0xFFFDD338, s14;
	s13 =	smin.u32 @!p1 s13, s15  }
0x11: {  	s14 =	ssub.s32 @!p1 $0x22D48, s14;
	p2 =	sgt.s32 @!p1 s16, $0x7F;
	p3 =	sgt.s32 @!p1 s13, $0x7F  }
0x12: {  	s13 =	ssub.s32 @!p1 $0x80, s13;
	p2 =	por !p2, p1;
	p3 =	por !p3, p1  }
0x13: {  	s15 =	sadd.s32 $0x1000, s10;
	s14 =	simm.s32 @!p2 $0x0;
	s13 =	simm.s32 @!p3 $0x0  }
0x14: {  	p2 =	sgt.s32 s15, $0x22D47;
	s13 =	smul.u32 @!p1 s13, s14;
	s14 =	sadd.s32 $0x80, s11  }
0x15: {  	s17 =	smov.u32 @p2 s14  }
0x16: {  	s15 =	smov.u32 @p2 s3;
	p2 =	sgt.s32 s17, $0x7F  }
0x17: {  	s17 =	simm.s32 @p2 $0x0;
	p2 =	sne.s32 s12, s7  }
.Ltmp1:
0x18: {  	p0 =	por !p0, !p0;
	s16 =	simm.s32 @!p1 $0x2;
	(pc) =	sbr.rel @!p2 .LBB1_6-.Ltmp1, $4  }
0x19: {  	s14 =	smov.u32 s8;
	s8 =	smov.u32 s10;
	s13 =	sand.u32 @!p1 $0x3FFFFFFF, s13  }
0x1a: {  	s10 =	smov.u32 s15;
	_ =	swait.ge @!p1 [sflag:s16], s13;
	s18 =	ssub.s32 @!p1 $0x0, s13  }
0x1b: {  	s13 =	smov.u32 s9;
	s12 =	sadd.s32 $0x1, s12;
	[sflag:s16] =	ssyncset.done @!p1 $0x0  }
0x1c: {  	s9 =	smov.u32 s11;
	s11 =	smov.u32 s17;
	[sflag:s16] =	ssyncadd.s32 @!p1 s18  }
.LBB1_1:
0x1d: {  	p1 =	sgt.u32 s12, s6  }
0x1e: {  	s15 =	sshrl.u32 @!p1 s11, $0x3  }
0x1f: {  	s16 =	sshll.u32 @!p1 s10, $0x3;
	s15 =	smul.u32 @!p1 $0x116C00, s15  }
0x20: {  	s17 =	sshll.u32 @!p1 s11, $0x7;
	s16 =	sand.u32 @!p1 $0xFFFFFC00, s16  }
0x21: {  	s15 =	sadd.s32 @!p1 s15, s16;
	s16 =	sand.u32 @!p1 $0x380, s17  }
0x22: {  	s17 =	sand.u32 @!p1 $0x7F, s10;
	s15 =	sor.u32 @!p1 s16, s15  }
0x23: {  	s16 =	sor.u32 @!p1 s17, s15  }
0x24: {  	s17 =	smulhi.u32 @!p1 $0xEB1B526D, s16;
	_ =	sdelay $0x1  }
0x25: {  	s15 =	smulhi.u32 @!p1 $0xEB1B526D, s15;
	s17 =	sshrl.u32 @!p1 s17, $0x11  }
0x26: {  	s17 =	smul.u32 @!p1 $0x22D80, s17  }
0x27: {  	s18 =	sxor.u32 @!p1 $0xFFFFFFFF, s12;
	s15 =	sshrl.u32 @!p1 s15, $0x11  }
0x28: {  	s18 =	sshll.u32 @!p1 s18, $0xE;
	s15 =	sand.u32 @!p1 $0x7F, s15;
	s16 =	ssub.s32 @!p1 s16, s17  }
0x29: {  	s15 =	smul.u32 @!p1 $0x45B0, s15;
	s17 =	sshrl.u32 @!p1 s16, $0x3;
	s16 =	sand.u32 @!p1 $0x7, s16  }
0x2a: {  	s18 =	sand.u32 @!p1 $0x4000, s18;
	s17 =	sadd.s32 @!p1 s4, s17;
	s16 =	sshll.u32 @!p1 s16, $0x12  }
0x2b: {  	s15 =	sadd.s32 @!p1 s15, s17;
	s16 =	sor.u32 @!p1 $0x400, s16;
	s17 =	simm.s32 @!p1 $0x116C00  }
0x2c: {  	[tilespmem:s18], [sflag:$0x1] =	stream.strided.gather @!p1 [hbm4b:s15+s16], $0x4000, s17, s16, $0x38;
	[tilespmem:$0x10100] =	vst v63  }
0x2d: {  	p1 =	seq.s32 s12, $0x0  }
0x2e: {  	p2 =	sge.u32 @!p1 s12, s7  }
0x2f: {  	p1 =	por p1, p2  }
.Ltmp2:
0x30: {  	_ = 	snop;
	(pc) =	sbr.rel @p1 .LBB1_5-.Ltmp2, $1  }
0x31: {  	_ =	sdelay $0x3  }
0x32: {  	s15 =	simm.s32 $0x1  }
0x33: {  	_ =	swait.ge [sflag:s5], $0x4000;
	s15 =	simm.s32 @!p0 $0x0  }
0x34: {  	[sflag:s5] =	ssyncset.done $0x0;
	s16 =	sshll.u32 s15, $0xE  }
0x35: {  	[sflag:s5] =	ssyncadd.s32 $0xFFFFC000;
	s16 =	sor.u32 $0x40, s16  }
0x36: {  	s15 =	smul.u32 $0x10200, s15;
	v0 =	vld [tilespmem:s16+$0x30]  }
0x37: {  	v1 =	vld [tilespmem:s16+$0xFFFFFFD0]  }
0x38: {  	s15 =	sshrl.u32 s15, $0x2;
	v5 =	vld [tilespmem:s16+$0xFFFFFFE0]  }
0x39: {  	v6 =	vld [tilespmem:s16+$0xFFFFFFF0];
	s18 =	sor.u32 $0x8000, s15  }
0x3a: {  	s31 =	sand.u32 $0x1, s12;
	v4 =	vld [tilespmem:s16+$0x0];
	s17 =	sadd.s32 $0x0, s18  }
0x3b: {  	v3 =	vld [tilespmem:s16+$0x10];
	s15 =	smul.u32 $0x10200, s31;
	[tilespmem:s17+$0x3870 ss:$0x81] =	vst.msk $0xffff, v0  }
0x3c: {  	v2 =	vld [tilespmem:s16+$0x20];
	[tilespmem:s17+$0x810 ss:$0x81] =	vst.msk $0xffff, v1  }
0x3d: {  	s15 =	sshrl.u32 s15, $0x2;
	v0 =	vld [tilespmem:s16+$0xFFFFFFC0];
	[tilespmem:s17+$0x1020 ss:$0x81] =	vst.msk $0xffff, v5;
	s16 =	sadd.s32 $0x80, s16  }
0x3e: {  	s19 =	simm.s32 $0x4;
	s20 =	simm.s32 $0x8;
	s15 =	sor.u32 $0x8000, s15;
	[tilespmem:s17+$0x1830 ss:$0x81] =	vst.msk $0xffff, v6;
	v1 =	vld [tilespmem:s16+$0x30]  }
.LBB1_3:
0x3f: {  	p1 =	sne.s32 s20, $0x1FC;
	v5 =	vld [tilespmem:s16+$0xFFFFFFD0];
	[tilespmem:s17+$0x2040 ss:$0x81] =	vst.msk $0xffff, v4  }
0x40: {  	v6 =	vld [tilespmem:s16+$0xFFFFFFE0];
	[tilespmem:s17+$0x2850 ss:$0x81] =	vst.msk $0xffff, v3  }
0x41: {  	s21 =	sshra.s32 s19, $0x2;
	s19 =	smov.u32 s20;
	v7 =	vld [tilespmem:s16+$0xFFFFFFF0];
	[tilespmem:s17+$0x3060 ss:$0x81] =	vst.msk $0xffff, v2  }
.Ltmp3:
0x42: {  	v4 =	vld [tilespmem:s16+$0x0];
	[tilespmem:s17+$0x0 ss:$0x81] =	vst.msk $0xffff, v0;
	s17 =	sadd.s32 s21, s18;
	(pc) =	sbr.rel @p1 .LBB1_3-.Ltmp3, $4  }
0x43: {  	v3 =	vld [tilespmem:s16+$0x10];
	[tilespmem:s17+$0x3870 ss:$0x81] =	vst.msk $0xffff, v1  }
0x44: {  	[tilespmem:s17+$0x810 ss:$0x81] =	vst.msk $0xffff, v5;
	v2 =	vld [tilespmem:s16+$0x20]  }
0x45: {  	v0 =	vld [tilespmem:s16+$0xFFFFFFC0];
	[tilespmem:s17+$0x1020 ss:$0x81] =	vst.msk $0xffff, v6;
	s16 =	sadd.s32 $0x80, s16  }
0x46: {  	s20 =	sadd.s32 $0x4, s20;
	v1 =	vld [tilespmem:s16+$0x30];
	[tilespmem:s17+$0x1830 ss:$0x81] =	vst.msk $0xffff, v7  }
0x47: {  	s20 =	sshll.u32 s8, $0x7;
	s21 =	sshll.u32 s9, $0x3;
	s19 =	sshra.s32 s19, $0x2  }
0x48: {  	v5 =	vld [tilespmem:s16+$0xFFFFFFD0];
	[tilespmem:s17+$0x2040 ss:$0x81] =	vst.msk $0xffff, v4;
	p1 =	sgt.s32 s8, $0x22CC8;
	s22 =	sand.u32 $0xFFFFFC00, s20;
	s21 =	sand.u32 $0xFFFFFC00, s21  }
0x49: {  	v58 =	vld [tilespmem:s16+$0xFFFFFFE0];
	s24 =	sshra.s32 s8, $0x1F;
	s20 =	sand.u32 $0x380, s20;
	[tilespmem:s17+$0x2850 ss:$0x81] =	vst.msk $0xffff, v3;
	s21 =	sadd.s32 s21, s22  }
0x4a: {  	v59 =	vld [tilespmem:s16+$0xFFFFFFF0];
	s26 =	ssub.s32 $0x0, s9;
	s18 =	sadd.s32 s19, s18;
	[tilespmem:s17+$0x3060 ss:$0x81] =	vst.msk $0xffff, v2;
	s23 =	sor.u32 s20, s21  }
0x4b: {  	v60 =	vld [tilespmem:s16+$0x0];
	s28 =	smin.u32 s9, s26;
	s20 =	smov.u32 s8;
	[tilespmem:s17+$0x0 ss:$0x81] =	vst.msk $0xffff, v0;
	s19 =	sshrl.u32 s23, $0x7  }
0x4c: {  	v61 =	vld [tilespmem:s16+$0x10];
	s21 =	sand.u32 s24, s8;
	s20 =	simm.s32 @!p1 $0x22CC8;
	[tilespmem:s18+$0x3870 ss:$0x81] =	vst.msk $0xffff, v1;
	s25 =	smulhi.u32 $0x3ACCBCB, s19  }
0x4d: {  	v62 =	vld [tilespmem:s16+$0x20];
	s29 =	sshrl.u32 s9, $0x3;
	p2 =	sgt.s32 s28, $0x7F;
	s20 =	ssub.s32 s20, s21;
	[tilespmem:s18+$0x810 ss:$0x81] =	vst.msk $0xffff, v5  }
0x4e: {  	v63 =	vld [tilespmem:s16+$0xFFFFFFC0];
	[tilespmem:s18+$0x1020 ss:$0x81] =	vst.msk $0xffff, v58;
	s21 =	sadd.s32 $0xFFFDD338, s20;
	s20 =	ssub.s32 $0x22D48, s20;
	s17 =	sshrl.u32 s25, $0xB  }
0x4f: {  	[tilespmem:s18+$0x1830 ss:$0x81] =	vst.msk $0xffff, v59;
	p1 =	sgt.s32 s21, $0x7F;
	s27 =	smul.u32 $0x22D48, s17;
	s17 =	ssub.s32 $0x80, s28  }
.Ltmp4:
0x50: {  	[tilespmem:s18+$0x2040 ss:$0x81] =	vst.msk $0xffff, v60;
	s20 =	simm.s32 @p1 $0x0;
	s17 =	simm.s32 @p2 $0x0;
	(pc) =	sbr.rel .LBB1_5-.Ltmp4, $4  }
0x51: {  	s30 =	sand.u32 $0xF, s29;
	[tilespmem:s18+$0x2850 ss:$0x81] =	vst.msk $0xffff, v61;
	s16 =	ssub.s32 s19, s27;
	s17 =	smul.u32 s17, s20  }
0x52: {  	[tilespmem:s18+$0x3060 ss:$0x81] =	vst.msk $0xffff, v62;
	s19 =	sadd.s32 s2, s30;
	s16 =	sshll.u32 s16, $0x4  }
0x53: {  	s31 =	sand.u32 $0x7, s9;
	[tilespmem:s18+$0x0 ss:$0x81] =	vst.msk $0xffff, v63;
	s17 =	sand.u32 $0x3FFFFFFF, s17;
	s16 =	sadd.s32 s16, s19  }
0x54: {  	[hbm4b:s16+s31] =	stream.linear.scatter [tilespmem:s15], [sflag:$0x2], s17, $0x20;
	[tilespmem:$0x10100] =	vst v63  }
.LBB1_6:
0x55: {  	_ =	sfence.sel $0x180000  }
0x56: {  	s2 =	simm.s32 $0x1;
	[bflag:$0x0] =	sbarrier.arrive $0xFFFF  }
0x57: {  	s31 =	simm.s32 $0x2;
	[sflag:s2] =	ssyncpa.u1 $0x1  }
0x58: {  	[sflag:s31] =	ssyncpa.u1 $0x1  }
0x59: {  	p0 =	sne.s32 s1, $0x0;
	_ =	strace $0x9000004A  }
0x5a: {  	s0 =	sadd.s32 @!p0 $0x100000, s0;
	[bflag:$0x2] =	sbarrier.arrive $0xFFFF  }
0x5b: {  	[sflag:s0] =	ssyncadd.tile.s32 @!p0 $0x1;
	_ =	shalt  }
.Lfunc_end1:
_tile_overlayer_lowered:
.L_overlay_start_2:
0x5c: {  	(tag) =	ssettag $0x2  }
0x5d: {  	s0 =	rddreg [dreg:$0x0];
	s2 =	stileid.u32  }
0x5e: {  	s1 =	rddreg [dreg:$0x1];
	p0 =	sne.s32 s2, $0x0  }
0x5f: {  	s3 =	rddreg [dreg:$0x2];
	[bflag:$0x3] =	sbarrier.arrive $0xFFFF;
	s2 =	simm.s32 @!p0 $0x1C01  }
0x60: {  	[timem:s3], [sflag:s2] =	dma.local @!p0 [hbm:s0], s1  }
0x61: {  	s0 =	simm.s32 @!p0 $0x1  }
0x62: {  	_ =	swait.ge @!p0 [sflag:s0], s1  }
0x63: {  	s1 =	ssub.s32 @!p0 $0x0, s1;
	[sflag:s0] =	ssyncset.done @!p0 $0x0  }
0x64: {  	[sflag:s0] =	ssyncadd.s32 @!p0 s1  }
0x65: {  	[bflag:$0x3] =	sbarrier.arrive $0xFFFF  }
0x66: {  	_ =	shalt  }

</sc_bundles>
